<compile_context>
chip_gen: v7x
topology: tpu7x:2x2x1
jax: 0.10.2.dev20260603
libtpu: 0.0.44.dev20260713+nightly
codegen_flags: <defaults>
</compile_context>

<pallas_src>
import functools

import jax
import jax.numpy as jnp
from jax import lax
from jax.experimental import pallas as pl
from jax.experimental.pallas import tpu as pltpu
from jax.experimental.pallas import tpu_sc as plsc


def _edge_block_sc(edge_attr, x, sender, receiver, *, chunk):
    E, DE = edge_attr.shape
    N, DF = x.shape
    DOUT = DE + 2 * DF

    info = plsc.get_sparse_core_info()
    NC, NS = info.num_cores, info.num_subcores
    NW = NC * NS
    assert E % NW == 0
    epw = E // NW
    assert epw % (2 * chunk) == 0
    n_outer = epw // (2 * chunk)

    mesh = plsc.VectorSubcoreMesh(core_axis_name="c", subcore_axis_name="s")

    @functools.partial(
        pl.kernel,
        mesh=mesh,
        compiler_params=pltpu.CompilerParams(use_tc_tiling_on_sc=False),
        out_type=jax.ShapeDtypeStruct((E, DOUT), jnp.float32),
        scratch_types=[
            pltpu.VMEM((E // 32,), jnp.int32),
            pltpu.VMEM((E // 32,), jnp.int32),
            pltpu.VMEM((chunk, DE), jnp.float32),
            pltpu.VMEM((chunk, DE), jnp.float32),
            pltpu.VMEM((chunk, DF), jnp.float32),
            pltpu.VMEM((chunk, DF), jnp.float32),
            pltpu.VMEM((chunk, DF), jnp.float32),
            pltpu.VMEM((chunk, DF), jnp.float32),
            pltpu.SemaphoreType.DMA,
            pltpu.SemaphoreType.DMA,
            pltpu.SemaphoreType.DMA,
            pltpu.SemaphoreType.DMA,
        ],
    )
    def k(ea_hbm, x_hbm, snd_hbm, rcv_hbm, out_hbm,
          snd_v, rcv_v, a0, a1, r0, r1, s0, s1, gs0, gs1, ws0, ws1):
        wid = lax.axis_index("s") * NC + lax.axis_index("c")
        base0 = wid * epw
        ats, rrs, srs = (a0, a1), (r0, r1), (s0, s1)
        gss, wss = (gs0, gs1), (ws0, ws1)

        pltpu.sync_copy(snd_hbm.at[pl.ds(base0, epw)], snd_v)
        pltpu.sync_copy(rcv_hbm.at[pl.ds(base0, epw)], rcv_v)

        def drain_writes(b):
            pltpu.make_async_copy(
                ats[b], out_hbm.at[pl.ds(base0, chunk), pl.ds(0, DE)], wss[b]).wait()
            pltpu.make_async_copy(
                rrs[b], out_hbm.at[pl.ds(base0, chunk), pl.ds(DE, DF)], wss[b]).wait()
            pltpu.make_async_copy(
                srs[b], out_hbm.at[pl.ds(base0, chunk), pl.ds(DE + DF, DF)], wss[b]).wait()

        def drain_gathers(b):
            h = 96
            pltpu.make_async_copy(
                x_hbm.at[rcv_v.at[pl.ds(0, h)]], rrs[b].at[pl.ds(0, h)], gss[b]).wait()
            pltpu.make_async_copy(
                x_hbm.at[rcv_v.at[pl.ds(0, h)]], srs[b].at[pl.ds(0, h)], gss[b]).wait()
            pltpu.make_async_copy(
                x_hbm.at[rcv_v.at[pl.ds(0, chunk - h)]],
                rrs[b].at[pl.ds(h, chunk - h)], gss[b]).wait()
            pltpu.make_async_copy(
                x_hbm.at[rcv_v.at[pl.ds(0, chunk - h)]],
                srs[b].at[pl.ds(h, chunk - h)], gss[b]).wait()
            pltpu.make_async_copy(ea_hbm.at[pl.ds(base0, chunk)], ats[b], gss[b]).wait()

        def outer(i, carry):
            @pl.when(i > 0)
            def _():
                drain_writes(0)
                drain_writes(1)

            for b in range(2):
                g = 2 * i + b
                base = base0 + g * chunk
                off = g * chunk
                h = 96
                pltpu.async_copy(
                    x_hbm.at[rcv_v.at[pl.ds(off, h)]], rrs[b].at[pl.ds(0, h)], gss[b])
                pltpu.async_copy(
                    x_hbm.at[snd_v.at[pl.ds(off, h)]], srs[b].at[pl.ds(0, h)], gss[b])
                pltpu.async_copy(
                    x_hbm.at[rcv_v.at[pl.ds(off + h, chunk - h)]],
                    rrs[b].at[pl.ds(h, chunk - h)], gss[b])
                pltpu.async_copy(
                    x_hbm.at[snd_v.at[pl.ds(off + h, chunk - h)]],
                    srs[b].at[pl.ds(h, chunk - h)], gss[b])
                pltpu.async_copy(ea_hbm.at[pl.ds(base, chunk)], ats[b], gss[b])

            for b in range(2):
                base = base0 + (2 * i + b) * chunk
                drain_gathers(b)
                pltpu.async_copy(
                    ats[b], out_hbm.at[pl.ds(base, chunk), pl.ds(0, DE)], wss[b])
                pltpu.async_copy(
                    rrs[b], out_hbm.at[pl.ds(base, chunk), pl.ds(DE, DF)], wss[b])
                pltpu.async_copy(
                    srs[b], out_hbm.at[pl.ds(base, chunk), pl.ds(DE + DF, DF)], wss[b])
            return carry

        lax.fori_loop(0, n_outer, outer, 0)
        drain_writes(0)
        drain_writes(1)

    return k(edge_attr, x, sender, receiver)


@jax.jit
def kernel(edge_attr, x, edge_index):
    sender = edge_index[0]
    receiver = edge_index[1]
    return _edge_block_sc(edge_attr, x, sender, receiver, chunk=200)

# --- scband reference (transcript-rebuilt; emitter-appended) ---
"""Pipeline reference for scband-edge-block-69346541961224 (READ-ONLY COPY).

The authoritative reference and input builder live on the scoring server;
editing this copy changes nothing except your own understanding.
"""

import jax, jax.numpy as jnp
import numpy as np

N_NODES = 10000
N_EDGES = 320000
D_FEAT = 128
D_EDGE = 16


def setup_inputs(seed: int = 0) -> dict:
    key = jax.random.key(seed)
    k1, k2, k3 = jax.random.split(key, 3)
    edge_attr = jax.random.normal(k1, (N_EDGES, D_EDGE), dtype=jnp.float32)
    x = jax.random.normal(k2, (N_NODES, D_FEAT), dtype=jnp.float32)
    edge_index = jax.random.randint(k3, (2, N_EDGES), 0, N_NODES, dtype=jnp.int32)
    return {"edge_attr": edge_attr, "x": x, "edge_index": edge_index}


def reference(edge_attr, x, edge_index):
    # EdgeBlock.forward with a single edge type and single vertex type,
    # independent=False, and no registered updater for this edge type
    # (so out[et] = updater_input, the concatenated per-edge features).
    # Original torch code builds, per edge e:
    #   cat([edata[e], vertex_data[receiver(e)], vertex_data[sender(e)]])
    # then stacks over all edges. Vectorized here as gathers + concat.
    sender = edge_index[0]
    receiver = edge_index[1]
    recv_feat = jnp.take(x, receiver, axis=0)   # [E, d_feat] gather
    send_feat = jnp.take(x, sender, axis=0)     # [E, d_feat] gather
    updater_input = jnp.concatenate([edge_attr, recv_feat, send_feat], axis=1)  # [E, d_edge + 2*d_feat]
    return updater_input

if __name__ == "__main__":
    import jax
    _d = setup_inputs()
    print(jax.jit(kernel)(*tuple(_d.values())))

</pallas_src>

<mosaic_0001>
#map = affine_map<(d0, d1) -> (0, 0)>
#map1 = affine_map<(d0, d1) -> (0)>
module attributes {stable_mosaic.version = 14 : i64} {
  func.func @k(%arg0: i32, %arg1: i32, %arg2: memref<320000x16xf32, #tpu.memory_space<hbm>>, %arg3: memref<10000x128xf32, #tpu.memory_space<hbm>>, %arg4: memref<320000xi32, #tpu.memory_space<hbm>>, %arg5: memref<320000xi32, #tpu.memory_space<hbm>>, %arg6: memref<320000x272xf32, #tpu.memory_space<hbm>>, %arg7: memref<10000xi32, #tpu.memory_space<vmem>>, %arg8: memref<10000xi32, #tpu.memory_space<vmem>>, %arg9: memref<200x16xf32, #tpu.memory_space<vmem>>, %arg10: memref<200x16xf32, #tpu.memory_space<vmem>>, %arg11: memref<200x128xf32, #tpu.memory_space<vmem>>, %arg12: memref<200x128xf32, #tpu.memory_space<vmem>>, %arg13: memref<200x128xf32, #tpu.memory_space<vmem>>, %arg14: memref<200x128xf32, #tpu.memory_space<vmem>>, %arg15: memref<!tpu.dma_semaphore, #tpu.memory_space<semaphore_mem>>, %arg16: memref<!tpu.dma_semaphore, #tpu.memory_space<semaphore_mem>>, %arg17: memref<!tpu.dma_semaphore, #tpu.memory_space<semaphore_mem>>, %arg18: memref<!tpu.dma_semaphore, #tpu.memory_space<semaphore_mem>>) attributes {dimension_semantics = [#tpu.dimension_semantics<core_parallel>, #tpu.dimension_semantics<subcore_parallel>], iteration_bounds = array<i64: 2, 16>, scalar_prefetch = 0 : i64, scratch_operands = 12 : i64, tpu.core_type = #tpu.core_type<sc_vector_subcore>, window_params = [{transform_indices = #map}, {transform_indices = #map}, {transform_indices = #map1}, {transform_indices = #map1}, {transform_indices = #map}]} {
    %mul3A = arith.constant 2 : i32
    %mul3A_0 = arith.muli %arg1, %mul3A : i32
    %add3A = arith.addi %mul3A_0, %arg0 : i32
    %mul3A_1 = arith.constant 10000 : i32
    %mul3A_2 = arith.muli %add3A, %mul3A_1 : i32
    "tpu.region"() ({
      %run_scoped3A = tpu.sem_alloc : memref<!tpu.dma_semaphore, #tpu.memory_space<semaphore_mem>>
      %dma_start3A = tpu.memref_slice %arg4[%mul3A_2] : memref<320000xi32, #tpu.memory_space<hbm>> -> memref<10000xi32, #tpu.memory_space<hbm>>
      %dma_start3A_31 = tpu.memref_slice %arg4[%mul3A_2] : memref<320000xi32, #tpu.memory_space<hbm>> -> memref<10000xi32, #tpu.memory_space<hbm>>
      tpu.enqueue_dma source(%dma_start3A_31 : memref<10000xi32, #tpu.memory_space<hbm>>) target(%arg7 : memref<10000xi32, #tpu.memory_space<vmem>>) target_semaphore(%run_scoped3A : memref<!tpu.dma_semaphore, #tpu.memory_space<semaphore_mem>>)
      %dma_wait3A_32 = tpu.memref_slice %arg4[%mul3A_2] : memref<320000xi32, #tpu.memory_space<hbm>> -> memref<10000xi32, #tpu.memory_space<hbm>>
      %dma_wait3A_33 = tpu.memref_slice %arg4[%mul3A_2] : memref<320000xi32, #tpu.memory_space<hbm>> -> memref<10000xi32, #tpu.memory_space<hbm>>
      tpu.wait_dma2 semaphore(%run_scoped3A : memref<!tpu.dma_semaphore, #tpu.memory_space<semaphore_mem>>) src(%dma_wait3A_33 : memref<10000xi32, #tpu.memory_space<hbm>>) dst(%arg7 : memref<10000xi32, #tpu.memory_space<vmem>>)
      tpu.yield
    }) : () -> ()
    "tpu.region"() ({
      %run_scoped3A = tpu.sem_alloc : memref<!tpu.dma_semaphore, #tpu.memory_space<semaphore_mem>>
      %dma_start3A = tpu.memref_slice %arg5[%mul3A_2] : memref<320000xi32, #tpu.memory_space<hbm>> -> memref<10000xi32, #tpu.memory_space<hbm>>
      %dma_start3A_31 = tpu.memref_slice %arg5[%mul3A_2] : memref<320000xi32, #tpu.memory_space<hbm>> -> memref<10000xi32, #tpu.memory_space<hbm>>
      tpu.enqueue_dma source(%dma_start3A_31 : memref<10000xi32, #tpu.memory_space<hbm>>) target(%arg8 : memref<10000xi32, #tpu.memory_space<vmem>>) target_semaphore(%run_scoped3A : memref<!tpu.dma_semaphore, #tpu.memory_space<semaphore_mem>>)
      %dma_wait3A_32 = tpu.memref_slice %arg5[%mul3A_2] : memref<320000xi32, #tpu.memory_space<hbm>> -> memref<10000xi32, #tpu.memory_space<hbm>>
      %dma_wait3A_33 = tpu.memref_slice %arg5[%mul3A_2] : memref<320000xi32, #tpu.memory_space<hbm>> -> memref<10000xi32, #tpu.memory_space<hbm>>
      tpu.wait_dma2 semaphore(%run_scoped3A : memref<!tpu.dma_semaphore, #tpu.memory_space<semaphore_mem>>) src(%dma_wait3A_33 : memref<10000xi32, #tpu.memory_space<hbm>>) dst(%arg8 : memref<10000xi32, #tpu.memory_space<vmem>>)
      tpu.yield
    }) : () -> ()
    %scan3A = arith.constant 0 : i32
    %scan3A_3 = arith.constant 0 : i32
    %scan3A_4 = arith.constant 25 : i32
    %scan3A_5 = arith.addi %scan3A_3, %scan3A_4 : i32
    %scan3A_6 = arith.constant 1 : i32
    scf.for %scan3A_31 = %scan3A_3 to %scan3A_5 step %scan3A_6  : i32 {
      %gt3A = arith.constant 0 : i32
      %gt3A_32 = arith.cmpi sgt, %scan3A_31, %gt3A : i32
      %convert_element_type3A = arith.extui %gt3A_32 : i1 to i32
      %cond3A = arith.constant 0 : i32
      %cond3A_33 = arith.cmpi ne, %convert_element_type3A, %cond3A : i32
      scf.if %cond3A_33 {
        %dma_wait3A_233 = arith.constant 0 : i32
        %dma_wait3A_234 = tpu.memref_slice %arg6[%mul3A_2, %dma_wait3A_233] : memref<320000x272xf32, #tpu.memory_space<hbm>> -> memref<200x16xf32, #tpu.memory_space<hbm>>
        %dma_wait3A_235 = arith.constant 0 : i32
        %dma_wait3A_236 = tpu.memref_slice %arg6[%mul3A_2, %dma_wait3A_235] : memref<320000x272xf32, #tpu.memory_space<hbm>> -> memref<200x16xf32, #tpu.memory_space<hbm>>
        tpu.wait_dma2 semaphore(%arg17 : memref<!tpu.dma_semaphore, #tpu.memory_space<semaphore_mem>>) src(%arg9 : memref<200x16xf32, #tpu.memory_space<vmem>>) dst(%dma_wait3A_236 : memref<200x16xf32, #tpu.memory_space<hbm>>)
        %dma_wait3A_237 = arith.constant 16 : i32
        %dma_wait3A_238 = tpu.memref_slice %arg6[%mul3A_2, %dma_wait3A_237] : memref<320000x272xf32, #tpu.memory_space<hbm>> -> memref<200x128xf32, #tpu.memory_space<hbm>>
        %dma_wait3A_239 = arith.constant 16 : i32
        %dma_wait3A_240 = tpu.memref_slice %arg6[%mul3A_2, %dma_wait3A_239] : memref<320000x272xf32, #tpu.memory_space<hbm>> -> memref<200x128xf32, #tpu.memory_space<hbm>>
        tpu.wait_dma2 semaphore(%arg17 : memref<!tpu.dma_semaphore, #tpu.memory_space<semaphore_mem>>) src(%arg11 : memref<200x128xf32, #tpu.memory_space<vmem>>) dst(%dma_wait3A_240 : memref<200x128xf32, #tpu.memory_space<hbm>>)
        %dma_wait3A_241 = arith.constant 144 : i32
        %dma_wait3A_242 = tpu.memref_slice %arg6[%mul3A_2, %dma_wait3A_241] : memref<320000x272xf32, #tpu.memory_space<hbm>> -> memref<200x128xf32, #tpu.memory_space<hbm>>
        %dma_wait3A_243 = arith.constant 144 : i32
        %dma_wait3A_244 = tpu.memref_slice %arg6[%mul3A_2, %dma_wait3A_243] : memref<320000x272xf32, #tpu.memory_space<hbm>> -> memref<200x128xf32, #tpu.memory_space<hbm>>
        tpu.wait_dma2 semaphore(%arg17 : memref<!tpu.dma_semaphore, #tpu.memory_space<semaphore_mem>>) src(%arg13 : memref<200x128xf32, #tpu.memory_space<vmem>>) dst(%dma_wait3A_244 : memref<200x128xf32, #tpu.memory_space<hbm>>)
        %dma_wait3A_245 = arith.constant 0 : i32
        %dma_wait3A_246 = tpu.memref_slice %arg6[%mul3A_2, %dma_wait3A_245] : memref<320000x272xf32, #tpu.memory_space<hbm>> -> memref<200x16xf32, #tpu.memory_space<hbm>>
        %dma_wait3A_247 = arith.constant 0 : i32
        %dma_wait3A_248 = tpu.memref_slice %arg6[%mul3A_2, %dma_wait3A_247] : memref<320000x272xf32, #tpu.memory_space<hbm>> -> memref<200x16xf32, #tpu.memory_space<hbm>>
        tpu.wait_dma2 semaphore(%arg18 : memref<!tpu.dma_semaphore, #tpu.memory_space<semaphore_mem>>) src(%arg10 : memref<200x16xf32, #tpu.memory_space<vmem>>) dst(%dma_wait3A_248 : memref<200x16xf32, #tpu.memory_space<hbm>>)
        %dma_wait3A_249 = arith.constant 16 : i32
        %dma_wait3A_250 = tpu.memref_slice %arg6[%mul3A_2, %dma_wait3A_249] : memref<320000x272xf32, #tpu.memory_space<hbm>> -> memref<200x128xf32, #tpu.memory_space<hbm>>
        %dma_wait3A_251 = arith.constant 16 : i32
        %dma_wait3A_252 = tpu.memref_slice %arg6[%mul3A_2, %dma_wait3A_251] : memref<320000x272xf32, #tpu.memory_space<hbm>> -> memref<200x128xf32, #tpu.memory_space<hbm>>
        tpu.wait_dma2 semaphore(%arg18 : memref<!tpu.dma_semaphore, #tpu.memory_space<semaphore_mem>>) src(%arg12 : memref<200x128xf32, #tpu.memory_space<vmem>>) dst(%dma_wait3A_252 : memref<200x128xf32, #tpu.memory_space<hbm>>)
        %dma_wait3A_253 = arith.constant 144 : i32
        %dma_wait3A_254 = tpu.memref_slice %arg6[%mul3A_2, %dma_wait3A_253] : memref<320000x272xf32, #tpu.memory_space<hbm>> -> memref<200x128xf32, #tpu.memory_space<hbm>>
        %dma_wait3A_255 = arith.constant 144 : i32
        %dma_wait3A_256 = tpu.memref_slice %arg6[%mul3A_2, %dma_wait3A_255] : memref<320000x272xf32, #tpu.memory_space<hbm>> -> memref<200x128xf32, #tpu.memory_space<hbm>>
        tpu.wait_dma2 semaphore(%arg18 : memref<!tpu.dma_semaphore, #tpu.memory_space<semaphore_mem>>) src(%arg14 : memref<200x128xf32, #tpu.memory_space<vmem>>) dst(%dma_wait3A_256 : memref<200x128xf32, #tpu.memory_space<hbm>>)
      } else {
      }
      %mul3A_34 = arith.constant 2 : i32
      %mul3A_35 = arith.muli %mul3A_34, %scan3A_31 : i32
      %add3A_36 = arith.constant 0 : i32
      %add3A_37 = arith.addi %mul3A_35, %add3A_36 : i32
      %mul3A_38 = arith.constant 200 : i32
      %mul3A_39 = arith.muli %add3A_37, %mul3A_38 : i32
      %add3A_40 = arith.addi %mul3A_2, %mul3A_39 : i32
      %mul3A_41 = arith.constant 200 : i32
      %mul3A_42 = arith.muli %add3A_37, %mul3A_41 : i32
      %dma_start3A = arith.constant 0 : i32
      %dma_start3A_43 = arith.constant 0 : i32
      %dma_start3A_44 = tpu.memref_slice %arg11[%dma_start3A, %dma_start3A_43] : memref<200x128xf32, #tpu.memory_space<vmem>> -> memref<96x128xf32, #tpu.memory_space<vmem>>
      %dma_start3A_45 = tpu.memref_slice %arg8[%mul3A_42] : memref<10000xi32, #tpu.memory_space<vmem>> -> memref<96xi32, #tpu.memory_space<vmem>>
      %dma_start3A_46 = arith.constant 0 : i32
      %dma_start3A_47 = arith.constant 0 : i32
      %dma_start3A_48 = tpu.memref_slice %arg3[%dma_start3A_46, %dma_start3A_47] : memref<10000x128xf32, #tpu.memory_space<hbm>> -> memref<10000x128xf32, #tpu.memory_space<hbm>>
      tpu.enqueue_indirect_dma source(%dma_start3A_48 : memref<10000x128xf32, #tpu.memory_space<hbm>>) target(%dma_start3A_44 : memref<96x128xf32, #tpu.memory_space<vmem>>) offsets(%dma_start3A_45 : memref<96xi32, #tpu.memory_space<vmem>>) semaphore(%arg15 : memref<!tpu.dma_semaphore, #tpu.memory_space<semaphore_mem>>)
      %dma_start3A_49 = arith.constant 0 : i32
      %dma_start3A_50 = arith.constant 0 : i32
      %dma_start3A_51 = tpu.memref_slice %arg13[%dma_start3A_49, %dma_start3A_50] : memref<200x128xf32, #tpu.memory_space<vmem>> -> memref<96x128xf32, #tpu.memory_space<vmem>>
      %dma_start3A_52 = tpu.memref_slice %arg7[%mul3A_42] : memref<10000xi32, #tpu.memory_space<vmem>> -> memref<96xi32, #tpu.memory_space<vmem>>
      %dma_start3A_53 = arith.constant 0 : i32
      %dma_start3A_54 = arith.constant 0 : i32
      %dma_start3A_55 = tpu.memref_slice %arg3[%dma_start3A_53, %dma_start3A_54] : memref<10000x128xf32, #tpu.memory_space<hbm>> -> memref<10000x128xf32, #tpu.memory_space<hbm>>
      tpu.enqueue_indirect_dma source(%dma_start3A_55 : memref<10000x128xf32, #tpu.memory_space<hbm>>) target(%dma_start3A_51 : memref<96x128xf32, #tpu.memory_space<vmem>>) offsets(%dma_start3A_52 : memref<96xi32, #tpu.memory_space<vmem>>) semaphore(%arg15 : memref<!tpu.dma_semaphore, #tpu.memory_space<semaphore_mem>>)
      %add3A_56 = arith.constant 96 : i32
      %add3A_57 = arith.addi %mul3A_42, %add3A_56 : i32
      %dma_start3A_58 = arith.constant 96 : i32
      %dma_start3A_59 = arith.constant 0 : i32
      %dma_start3A_60 = tpu.memref_slice %arg11[%dma_start3A_58, %dma_start3A_59] : memref<200x128xf32, #tpu.memory_space<vmem>> -> memref<104x128xf32, #tpu.memory_space<vmem>>
      %dma_start3A_61 = tpu.memref_slice %arg8[%add3A_57] : memref<10000xi32, #tpu.memory_space<vmem>> -> memref<104xi32, #tpu.memory_space<vmem>>
      %dma_start3A_62 = arith.constant 0 : i32
      %dma_start3A_63 = arith.constant 0 : i32
      %dma_start3A_64 = tpu.memref_slice %arg3[%dma_start3A_62, %dma_start3A_63] : memref<10000x128xf32, #tpu.memory_space<hbm>> -> memref<10000x128xf32, #tpu.memory_space<hbm>>
      tpu.enqueue_indirect_dma source(%dma_start3A_64 : memref<10000x128xf32, #tpu.memory_space<hbm>>) target(%dma_start3A_60 : memref<104x128xf32, #tpu.memory_space<vmem>>) offsets(%dma_start3A_61 : memref<104xi32, #tpu.memory_space<vmem>>) semaphore(%arg15 : memref<!tpu.dma_semaphore, #tpu.memory_space<semaphore_mem>>)
      %add3A_65 = arith.constant 96 : i32
      %add3A_66 = arith.addi %mul3A_42, %add3A_65 : i32
      %dma_start3A_67 = arith.constant 96 : i32
      %dma_start3A_68 = arith.constant 0 : i32
      %dma_start3A_69 = tpu.memref_slice %arg13[%dma_start3A_67, %dma_start3A_68] : memref<200x128xf32, #tpu.memory_space<vmem>> -> memref<104x128xf32, #tpu.memory_space<vmem>>
      %dma_start3A_70 = tpu.memref_slice %arg7[%add3A_66] : memref<10000xi32, #tpu.memory_space<vmem>> -> memref<104xi32, #tpu.memory_space<vmem>>
      %dma_start3A_71 = arith.constant 0 : i32
      %dma_start3A_72 = arith.constant 0 : i32
      %dma_start3A_73 = tpu.memref_slice %arg3[%dma_start3A_71, %dma_start3A_72] : memref<10000x128xf32, #tpu.memory_space<hbm>> -> memref<10000x128xf32, #tpu.memory_space<hbm>>
      tpu.enqueue_indirect_dma source(%dma_start3A_73 : memref<10000x128xf32, #tpu.memory_space<hbm>>) target(%dma_start3A_69 : memref<104x128xf32, #tpu.memory_space<vmem>>) offsets(%dma_start3A_70 : memref<104xi32, #tpu.memory_space<vmem>>) semaphore(%arg15 : memref<!tpu.dma_semaphore, #tpu.memory_space<semaphore_mem>>)
      %dma_start3A_74 = arith.constant 0 : i32
      %dma_start3A_75 = tpu.memref_slice %arg2[%add3A_40, %dma_start3A_74] : memref<320000x16xf32, #tpu.memory_space<hbm>> -> memref<200x16xf32, #tpu.memory_space<hbm>>
      %dma_start3A_76 = arith.constant 0 : i32
      %dma_start3A_77 = tpu.memref_slice %arg2[%add3A_40, %dma_start3A_76] : memref<320000x16xf32, #tpu.memory_space<hbm>> -> memref<200x16xf32, #tpu.memory_space<hbm>>
      tpu.enqueue_dma source(%dma_start3A_77 : memref<200x16xf32, #tpu.memory_space<hbm>>) target(%arg9 : memref<200x16xf32, #tpu.memory_space<vmem>>) target_semaphore(%arg15 : memref<!tpu.dma_semaphore, #tpu.memory_space<semaphore_mem>>)
      %mul3A_78 = arith.constant 2 : i32
      %mul3A_79 = arith.muli %mul3A_78, %scan3A_31 : i32
      %add3A_80 = arith.constant 1 : i32
      %add3A_81 = arith.addi %mul3A_79, %add3A_80 : i32
      %mul3A_82 = arith.constant 200 : i32
      %mul3A_83 = arith.muli %add3A_81, %mul3A_82 : i32
      %add3A_84 = arith.addi %mul3A_2, %mul3A_83 : i32
      %mul3A_85 = arith.constant 200 : i32
      %mul3A_86 = arith.muli %add3A_81, %mul3A_85 : i32
      %dma_start3A_87 = arith.constant 0 : i32
      %dma_start3A_88 = arith.constant 0 : i32
      %dma_start3A_89 = tpu.memref_slice %arg12[%dma_start3A_87, %dma_start3A_88] : memref<200x128xf32, #tpu.memory_space<vmem>> -> memref<96x128xf32, #tpu.memory_space<vmem>>
      %dma_start3A_90 = tpu.memref_slice %arg8[%mul3A_86] : memref<10000xi32, #tpu.memory_space<vmem>> -> memref<96xi32, #tpu.memory_space<vmem>>
      %dma_start3A_91 = arith.constant 0 : i32
      %dma_start3A_92 = arith.constant 0 : i32
      %dma_start3A_93 = tpu.memref_slice %arg3[%dma_start3A_91, %dma_start3A_92] : memref<10000x128xf32, #tpu.memory_space<hbm>> -> memref<10000x128xf32, #tpu.memory_space<hbm>>
      tpu.enqueue_indirect_dma source(%dma_start3A_93 : memref<10000x128xf32, #tpu.memory_space<hbm>>) target(%dma_start3A_89 : memref<96x128xf32, #tpu.memory_space<vmem>>) offsets(%dma_start3A_90 : memref<96xi32, #tpu.memory_space<vmem>>) semaphore(%arg16 : memref<!tpu.dma_semaphore, #tpu.memory_space<semaphore_mem>>)
      %dma_start3A_94 = arith.constant 0 : i32
      %dma_start3A_95 = arith.constant 0 : i32
      %dma_start3A_96 = tpu.memref_slice %arg14[%dma_start3A_94, %dma_start3A_95] : memref<200x128xf32, #tpu.memory_space<vmem>> -> memref<96x128xf32, #tpu.memory_space<vmem>>
      %dma_start3A_97 = tpu.memref_slice %arg7[%mul3A_86] : memref<10000xi32, #tpu.memory_space<vmem>> -> memref<96xi32, #tpu.memory_space<vmem>>
      %dma_start3A_98 = arith.constant 0 : i32
      %dma_start3A_99 = arith.constant 0 : i32
      %dma_start3A_100 = tpu.memref_slice %arg3[%dma_start3A_98, %dma_start3A_99] : memref<10000x128xf32, #tpu.memory_space<hbm>> -> memref<10000x128xf32, #tpu.memory_space<hbm>>
      tpu.enqueue_indirect_dma source(%dma_start3A_100 : memref<10000x128xf32, #tpu.memory_space<hbm>>) target(%dma_start3A_96 : memref<96x128xf32, #tpu.memory_space<vmem>>) offsets(%dma_start3A_97 : memref<96xi32, #tpu.memory_space<vmem>>) semaphore(%arg16 : memref<!tpu.dma_semaphore, #tpu.memory_space<semaphore_mem>>)
      %add3A_101 = arith.constant 96 : i32
      %add3A_102 = arith.addi %mul3A_86, %add3A_101 : i32
      %dma_start3A_103 = arith.constant 96 : i32
      %dma_start3A_104 = arith.constant 0 : i32
      %dma_start3A_105 = tpu.memref_slice %arg12[%dma_start3A_103, %dma_start3A_104] : memref<200x128xf32, #tpu.memory_space<vmem>> -> memref<104x128xf32, #tpu.memory_space<vmem>>
      %dma_start3A_106 = tpu.memref_slice %arg8[%add3A_102] : memref<10000xi32, #tpu.memory_space<vmem>> -> memref<104xi32, #tpu.memory_space<vmem>>
      %dma_start3A_107 = arith.constant 0 : i32
      %dma_start3A_108 = arith.constant 0 : i32
      %dma_start3A_109 = tpu.memref_slice %arg3[%dma_start3A_107, %dma_start3A_108] : memref<10000x128xf32, #tpu.memory_space<hbm>> -> memref<10000x128xf32, #tpu.memory_space<hbm>>
      tpu.enqueue_indirect_dma source(%dma_start3A_109 : memref<10000x128xf32, #tpu.memory_space<hbm>>) target(%dma_start3A_105 : memref<104x128xf32, #tpu.memory_space<vmem>>) offsets(%dma_start3A_106 : memref<104xi32, #tpu.memory_space<vmem>>) semaphore(%arg16 : memref<!tpu.dma_semaphore, #tpu.memory_space<semaphore_mem>>)
      %add3A_110 = arith.constant 96 : i32
      %add3A_111 = arith.addi %mul3A_86, %add3A_110 : i32
      %dma_start3A_112 = arith.constant 96 : i32
      %dma_start3A_113 = arith.constant 0 : i32
      %dma_start3A_114 = tpu.memref_slice %arg14[%dma_start3A_112, %dma_start3A_113] : memref<200x128xf32, #tpu.memory_space<vmem>> -> memref<104x128xf32, #tpu.memory_space<vmem>>
      %dma_start3A_115 = tpu.memref_slice %arg7[%add3A_111] : memref<10000xi32, #tpu.memory_space<vmem>> -> memref<104xi32, #tpu.memory_space<vmem>>
      %dma_start3A_116 = arith.constant 0 : i32
      %dma_start3A_117 = arith.constant 0 : i32
      %dma_start3A_118 = tpu.memref_slice %arg3[%dma_start3A_116, %dma_start3A_117] : memref<10000x128xf32, #tpu.memory_space<hbm>> -> memref<10000x128xf32, #tpu.memory_space<hbm>>
      tpu.enqueue_indirect_dma source(%dma_start3A_118 : memref<10000x128xf32, #tpu.memory_space<hbm>>) target(%dma_start3A_114 : memref<104x128xf32, #tpu.memory_space<vmem>>) offsets(%dma_start3A_115 : memref<104xi32, #tpu.memory_space<vmem>>) semaphore(%arg16 : memref<!tpu.dma_semaphore, #tpu.memory_space<semaphore_mem>>)
      %dma_start3A_119 = arith.constant 0 : i32
      %dma_start3A_120 = tpu.memref_slice %arg2[%add3A_84, %dma_start3A_119] : memref<320000x16xf32, #tpu.memory_space<hbm>> -> memref<200x16xf32, #tpu.memory_space<hbm>>
      %dma_start3A_121 = arith.constant 0 : i32
      %dma_start3A_122 = tpu.memref_slice %arg2[%add3A_84, %dma_start3A_121] : memref<320000x16xf32, #tpu.memory_space<hbm>> -> memref<200x16xf32, #tpu.memory_space<hbm>>
      tpu.enqueue_dma source(%dma_start3A_122 : memref<200x16xf32, #tpu.memory_space<hbm>>) target(%arg10 : memref<200x16xf32, #tpu.memory_space<vmem>>) target_semaphore(%arg16 : memref<!tpu.dma_semaphore, #tpu.memory_space<semaphore_mem>>)
      %mul3A_123 = arith.constant 2 : i32
      %mul3A_124 = arith.muli %mul3A_123, %scan3A_31 : i32
      %add3A_125 = arith.constant 0 : i32
      %add3A_126 = arith.addi %mul3A_124, %add3A_125 : i32
      %mul3A_127 = arith.constant 200 : i32
      %mul3A_128 = arith.muli %add3A_126, %mul3A_127 : i32
      %add3A_129 = arith.addi %mul3A_2, %mul3A_128 : i32
      %dma_wait3A_130 = arith.constant 0 : i32
      %dma_wait3A_131 = arith.constant 0 : i32
      %dma_wait3A_132 = tpu.memref_slice %arg11[%dma_wait3A_130, %dma_wait3A_131] : memref<200x128xf32, #tpu.memory_space<vmem>> -> memref<96x128xf32, #tpu.memory_space<vmem>>
      %dma_wait3A_133 = arith.constant 0 : i32
      %dma_wait3A_134 = tpu.memref_slice %arg8[%dma_wait3A_133] : memref<10000xi32, #tpu.memory_space<vmem>> -> memref<96xi32, #tpu.memory_space<vmem>>
      %dma_wait3A_135 = arith.constant 0 : i32
      %dma_wait3A_136 = arith.constant 0 : i32
      %dma_wait3A_137 = tpu.memref_slice %arg3[%dma_wait3A_135, %dma_wait3A_136] : memref<10000x128xf32, #tpu.memory_space<hbm>> -> memref<10000x128xf32, #tpu.memory_space<hbm>>
      tpu.wait_indirect_dma semaphore(%arg15 : memref<!tpu.dma_semaphore, #tpu.memory_space<semaphore_mem>>) src(%dma_wait3A_137 : memref<10000x128xf32, #tpu.memory_space<hbm>>) dst(%dma_wait3A_132 : memref<96x128xf32, #tpu.memory_space<vmem>>)
      %dma_wait3A_138 = arith.constant 0 : i32
      %dma_wait3A_139 = arith.constant 0 : i32
      %dma_wait3A_140 = tpu.memref_slice %arg13[%dma_wait3A_138, %dma_wait3A_139] : memref<200x128xf32, #tpu.memory_space<vmem>> -> memref<96x128xf32, #tpu.memory_space<vmem>>
      %dma_wait3A_141 = arith.constant 0 : i32
      %dma_wait3A_142 = tpu.memref_slice %arg8[%dma_wait3A_141] : memref<10000xi32, #tpu.memory_space<vmem>> -> memref<96xi32, #tpu.memory_space<vmem>>
      %dma_wait3A_143 = arith.constant 0 : i32
      %dma_wait3A_144 = arith.constant 0 : i32
      %dma_wait3A_145 = tpu.memref_slice %arg3[%dma_wait3A_143, %dma_wait3A_144] : memref<10000x128xf32, #tpu.memory_space<hbm>> -> memref<10000x128xf32, #tpu.memory_space<hbm>>
      tpu.wait_indirect_dma semaphore(%arg15 : memref<!tpu.dma_semaphore, #tpu.memory_space<semaphore_mem>>) src(%dma_wait3A_145 : memref<10000x128xf32, #tpu.memory_space<hbm>>) dst(%dma_wait3A_140 : memref<96x128xf32, #tpu.memory_space<vmem>>)
      %dma_wait3A_146 = arith.constant 96 : i32
      %dma_wait3A_147 = arith.constant 0 : i32
      %dma_wait3A_148 = tpu.memref_slice %arg11[%dma_wait3A_146, %dma_wait3A_147] : memref<200x128xf32, #tpu.memory_space<vmem>> -> memref<104x128xf32, #tpu.memory_space<vmem>>
      %dma_wait3A_149 = arith.constant 0 : i32
      %dma_wait3A_150 = tpu.memref_slice %arg8[%dma_wait3A_149] : memref<10000xi32, #tpu.memory_space<vmem>> -> memref<104xi32, #tpu.memory_space<vmem>>
      %dma_wait3A_151 = arith.constant 0 : i32
      %dma_wait3A_152 = arith.constant 0 : i32
      %dma_wait3A_153 = tpu.memref_slice %arg3[%dma_wait3A_151, %dma_wait3A_152] : memref<10000x128xf32, #tpu.memory_space<hbm>> -> memref<10000x128xf32, #tpu.memory_space<hbm>>
      tpu.wait_indirect_dma semaphore(%arg15 : memref<!tpu.dma_semaphore, #tpu.memory_space<semaphore_mem>>) src(%dma_wait3A_153 : memref<10000x128xf32, #tpu.memory_space<hbm>>) dst(%dma_wait3A_148 : memref<104x128xf32, #tpu.memory_space<vmem>>)
      %dma_wait3A_154 = arith.constant 96 : i32
      %dma_wait3A_155 = arith.constant 0 : i32
      %dma_wait3A_156 = tpu.memref_slice %arg13[%dma_wait3A_154, %dma_wait3A_155] : memref<200x128xf32, #tpu.memory_space<vmem>> -> memref<104x128xf32, #tpu.memory_space<vmem>>
      %dma_wait3A_157 = arith.constant 0 : i32
      %dma_wait3A_158 = tpu.memref_slice %arg8[%dma_wait3A_157] : memref<10000xi32, #tpu.memory_space<vmem>> -> memref<104xi32, #tpu.memory_space<vmem>>
      %dma_wait3A_159 = arith.constant 0 : i32
      %dma_wait3A_160 = arith.constant 0 : i32
      %dma_wait3A_161 = tpu.memref_slice %arg3[%dma_wait3A_159, %dma_wait3A_160] : memref<10000x128xf32, #tpu.memory_space<hbm>> -> memref<10000x128xf32, #tpu.memory_space<hbm>>
      tpu.wait_indirect_dma semaphore(%arg15 : memref<!tpu.dma_semaphore, #tpu.memory_space<semaphore_mem>>) src(%dma_wait3A_161 : memref<10000x128xf32, #tpu.memory_space<hbm>>) dst(%dma_wait3A_156 : memref<104x128xf32, #tpu.memory_space<vmem>>)
      %dma_wait3A_162 = arith.constant 0 : i32
      %dma_wait3A_163 = tpu.memref_slice %arg2[%mul3A_2, %dma_wait3A_162] : memref<320000x16xf32, #tpu.memory_space<hbm>> -> memref<200x16xf32, #tpu.memory_space<hbm>>
      %dma_wait3A_164 = arith.constant 0 : i32
      %dma_wait3A_165 = tpu.memref_slice %arg2[%mul3A_2, %dma_wait3A_164] : memref<320000x16xf32, #tpu.memory_space<hbm>> -> memref<200x16xf32, #tpu.memory_space<hbm>>
      tpu.wait_dma2 semaphore(%arg15 : memref<!tpu.dma_semaphore, #tpu.memory_space<semaphore_mem>>) src(%dma_wait3A_165 : memref<200x16xf32, #tpu.memory_space<hbm>>) dst(%arg9 : memref<200x16xf32, #tpu.memory_space<vmem>>)
      %dma_start3A_166 = arith.constant 0 : i32
      %dma_start3A_167 = tpu.memref_slice %arg6[%add3A_129, %dma_start3A_166] : memref<320000x272xf32, #tpu.memory_space<hbm>> -> memref<200x16xf32, #tpu.memory_space<hbm>>
      %dma_start3A_168 = arith.constant 0 : i32
      %dma_start3A_169 = tpu.memref_slice %arg6[%add3A_129, %dma_start3A_168] : memref<320000x272xf32, #tpu.memory_space<hbm>> -> memref<200x16xf32, #tpu.memory_space<hbm>>
      tpu.enqueue_dma source(%arg9 : memref<200x16xf32, #tpu.memory_space<vmem>>) target(%dma_start3A_169 : memref<200x16xf32, #tpu.memory_space<hbm>>) target_semaphore(%arg17 : memref<!tpu.dma_semaphore, #tpu.memory_space<semaphore_mem>>)
      %dma_start3A_170 = arith.constant 16 : i32
      %dma_start3A_171 = tpu.memref_slice %arg6[%add3A_129, %dma_start3A_170] : memref<320000x272xf32, #tpu.memory_space<hbm>> -> memref<200x128xf32, #tpu.memory_space<hbm>>
      %dma_start3A_172 = arith.constant 16 : i32
      %dma_start3A_173 = tpu.memref_slice %arg6[%add3A_129, %dma_start3A_172] : memref<320000x272xf32, #tpu.memory_space<hbm>> -> memref<200x128xf32, #tpu.memory_space<hbm>>
      tpu.enqueue_dma source(%arg11 : memref<200x128xf32, #tpu.memory_space<vmem>>) target(%dma_start3A_173 : memref<200x128xf32, #tpu.memory_space<hbm>>) target_semaphore(%arg17 : memref<!tpu.dma_semaphore, #tpu.memory_space<semaphore_mem>>)
      %dma_start3A_174 = arith.constant 144 : i32
      %dma_start3A_175 = tpu.memref_slice %arg6[%add3A_129, %dma_start3A_174] : memref<320000x272xf32, #tpu.memory_space<hbm>> -> memref<200x128xf32, #tpu.memory_space<hbm>>
      %dma_start3A_176 = arith.constant 144 : i32
      %dma_start3A_177 = tpu.memref_slice %arg6[%add3A_129, %dma_start3A_176] : memref<320000x272xf32, #tpu.memory_space<hbm>> -> memref<200x128xf32, #tpu.memory_space<hbm>>
      tpu.enqueue_dma source(%arg13 : memref<200x128xf32, #tpu.memory_space<vmem>>) target(%dma_start3A_177 : memref<200x128xf32, #tpu.memory_space<hbm>>) target_semaphore(%arg17 : memref<!tpu.dma_semaphore, #tpu.memory_space<semaphore_mem>>)
      %mul3A_178 = arith.constant 2 : i32
      %mul3A_179 = arith.muli %mul3A_178, %scan3A_31 : i32
      %add3A_180 = arith.constant 1 : i32
      %add3A_181 = arith.addi %mul3A_179, %add3A_180 : i32
      %mul3A_182 = arith.constant 200 : i32
      %mul3A_183 = arith.muli %add3A_181, %mul3A_182 : i32
      %add3A_184 = arith.addi %mul3A_2, %mul3A_183 : i32
      %dma_wait3A_185 = arith.constant 0 : i32
      %dma_wait3A_186 = arith.constant 0 : i32
      %dma_wait3A_187 = tpu.memref_slice %arg12[%dma_wait3A_185, %dma_wait3A_186] : memref<200x128xf32, #tpu.memory_space<vmem>> -> memref<96x128xf32, #tpu.memory_space<vmem>>
      %dma_wait3A_188 = arith.constant 0 : i32
      %dma_wait3A_189 = tpu.memref_slice %arg8[%dma_wait3A_188] : memref<10000xi32, #tpu.memory_space<vmem>> -> memref<96xi32, #tpu.memory_space<vmem>>
      %dma_wait3A_190 = arith.constant 0 : i32
      %dma_wait3A_191 = arith.constant 0 : i32
      %dma_wait3A_192 = tpu.memref_slice %arg3[%dma_wait3A_190, %dma_wait3A_191] : memref<10000x128xf32, #tpu.memory_space<hbm>> -> memref<10000x128xf32, #tpu.memory_space<hbm>>
      tpu.wait_indirect_dma semaphore(%arg16 : memref<!tpu.dma_semaphore, #tpu.memory_space<semaphore_mem>>) src(%dma_wait3A_192 : memref<10000x128xf32, #tpu.memory_space<hbm>>) dst(%dma_wait3A_187 : memref<96x128xf32, #tpu.memory_space<vmem>>)
      %dma_wait3A_193 = arith.constant 0 : i32
      %dma_wait3A_194 = arith.constant 0 : i32
      %dma_wait3A_195 = tpu.memref_slice %arg14[%dma_wait3A_193, %dma_wait3A_194] : memref<200x128xf32, #tpu.memory_space<vmem>> -> memref<96x128xf32, #tpu.memory_space<vmem>>
      %dma_wait3A_196 = arith.constant 0 : i32
      %dma_wait3A_197 = tpu.memref_slice %arg8[%dma_wait3A_196] : memref<10000xi32, #tpu.memory_space<vmem>> -> memref<96xi32, #tpu.memory_space<vmem>>
      %dma_wait3A_198 = arith.constant 0 : i32
      %dma_wait3A_199 = arith.constant 0 : i32
      %dma_wait3A_200 = tpu.memref_slice %arg3[%dma_wait3A_198, %dma_wait3A_199] : memref<10000x128xf32, #tpu.memory_space<hbm>> -> memref<10000x128xf32, #tpu.memory_space<hbm>>
      tpu.wait_indirect_dma semaphore(%arg16 : memref<!tpu.dma_semaphore, #tpu.memory_space<semaphore_mem>>) src(%dma_wait3A_200 : memref<10000x128xf32, #tpu.memory_space<hbm>>) dst(%dma_wait3A_195 : memref<96x128xf32, #tpu.memory_space<vmem>>)
      %dma_wait3A_201 = arith.constant 96 : i32
      %dma_wait3A_202 = arith.constant 0 : i32
      %dma_wait3A_203 = tpu.memref_slice %arg12[%dma_wait3A_201, %dma_wait3A_202] : memref<200x128xf32, #tpu.memory_space<vmem>> -> memref<104x128xf32, #tpu.memory_space<vmem>>
      %dma_wait3A_204 = arith.constant 0 : i32
      %dma_wait3A_205 = tpu.memref_slice %arg8[%dma_wait3A_204] : memref<10000xi32, #tpu.memory_space<vmem>> -> memref<104xi32, #tpu.memory_space<vmem>>
      %dma_wait3A_206 = arith.constant 0 : i32
      %dma_wait3A_207 = arith.constant 0 : i32
      %dma_wait3A_208 = tpu.memref_slice %arg3[%dma_wait3A_206, %dma_wait3A_207] : memref<10000x128xf32, #tpu.memory_space<hbm>> -> memref<10000x128xf32, #tpu.memory_space<hbm>>
      tpu.wait_indirect_dma semaphore(%arg16 : memref<!tpu.dma_semaphore, #tpu.memory_space<semaphore_mem>>) src(%dma_wait3A_208 : memref<10000x128xf32, #tpu.memory_space<hbm>>) dst(%dma_wait3A_203 : memref<104x128xf32, #tpu.memory_space<vmem>>)
      %dma_wait3A_209 = arith.constant 96 : i32
      %dma_wait3A_210 = arith.constant 0 : i32
      %dma_wait3A_211 = tpu.memref_slice %arg14[%dma_wait3A_209, %dma_wait3A_210] : memref<200x128xf32, #tpu.memory_space<vmem>> -> memref<104x128xf32, #tpu.memory_space<vmem>>
      %dma_wait3A_212 = arith.constant 0 : i32
      %dma_wait3A_213 = tpu.memref_slice %arg8[%dma_wait3A_212] : memref<10000xi32, #tpu.memory_space<vmem>> -> memref<104xi32, #tpu.memory_space<vmem>>
      %dma_wait3A_214 = arith.constant 0 : i32
      %dma_wait3A_215 = arith.constant 0 : i32
      %dma_wait3A_216 = tpu.memref_slice %arg3[%dma_wait3A_214, %dma_wait3A_215] : memref<10000x128xf32, #tpu.memory_space<hbm>> -> memref<10000x128xf32, #tpu.memory_space<hbm>>
      tpu.wait_indirect_dma semaphore(%arg16 : memref<!tpu.dma_semaphore, #tpu.memory_space<semaphore_mem>>) src(%dma_wait3A_216 : memref<10000x128xf32, #tpu.memory_space<hbm>>) dst(%dma_wait3A_211 : memref<104x128xf32, #tpu.memory_space<vmem>>)
      %dma_wait3A_217 = arith.constant 0 : i32
      %dma_wait3A_218 = tpu.memref_slice %arg2[%mul3A_2, %dma_wait3A_217] : memref<320000x16xf32, #tpu.memory_space<hbm>> -> memref<200x16xf32, #tpu.memory_space<hbm>>
      %dma_wait3A_219 = arith.constant 0 : i32
      %dma_wait3A_220 = tpu.memref_slice %arg2[%mul3A_2, %dma_wait3A_219] : memref<320000x16xf32, #tpu.memory_space<hbm>> -> memref<200x16xf32, #tpu.memory_space<hbm>>
      tpu.wait_dma2 semaphore(%arg16 : memref<!tpu.dma_semaphore, #tpu.memory_space<semaphore_mem>>) src(%dma_wait3A_220 : memref<200x16xf32, #tpu.memory_space<hbm>>) dst(%arg10 : memref<200x16xf32, #tpu.memory_space<vmem>>)
      %dma_start3A_221 = arith.constant 0 : i32
      %dma_start3A_222 = tpu.memref_slice %arg6[%add3A_184, %dma_start3A_221] : memref<320000x272xf32, #tpu.memory_space<hbm>> -> memref<200x16xf32, #tpu.memory_space<hbm>>
      %dma_start3A_223 = arith.constant 0 : i32
      %dma_start3A_224 = tpu.memref_slice %arg6[%add3A_184, %dma_start3A_223] : memref<320000x272xf32, #tpu.memory_space<hbm>> -> memref<200x16xf32, #tpu.memory_space<hbm>>
      tpu.enqueue_dma source(%arg10 : memref<200x16xf32, #tpu.memory_space<vmem>>) target(%dma_start3A_224 : memref<200x16xf32, #tpu.memory_space<hbm>>) target_semaphore(%arg18 : memref<!tpu.dma_semaphore, #tpu.memory_space<semaphore_mem>>)
      %dma_start3A_225 = arith.constant 16 : i32
      %dma_start3A_226 = tpu.memref_slice %arg6[%add3A_184, %dma_start3A_225] : memref<320000x272xf32, #tpu.memory_space<hbm>> -> memref<200x128xf32, #tpu.memory_space<hbm>>
      %dma_start3A_227 = arith.constant 16 : i32
      %dma_start3A_228 = tpu.memref_slice %arg6[%add3A_184, %dma_start3A_227] : memref<320000x272xf32, #tpu.memory_space<hbm>> -> memref<200x128xf32, #tpu.memory_space<hbm>>
      tpu.enqueue_dma source(%arg12 : memref<200x128xf32, #tpu.memory_space<vmem>>) target(%dma_start3A_228 : memref<200x128xf32, #tpu.memory_space<hbm>>) target_semaphore(%arg18 : memref<!tpu.dma_semaphore, #tpu.memory_space<semaphore_mem>>)
      %dma_start3A_229 = arith.constant 144 : i32
      %dma_start3A_230 = tpu.memref_slice %arg6[%add3A_184, %dma_start3A_229] : memref<320000x272xf32, #tpu.memory_space<hbm>> -> memref<200x128xf32, #tpu.memory_space<hbm>>
      %dma_start3A_231 = arith.constant 144 : i32
      %dma_start3A_232 = tpu.memref_slice %arg6[%add3A_184, %dma_start3A_231] : memref<320000x272xf32, #tpu.memory_space<hbm>> -> memref<200x128xf32, #tpu.memory_space<hbm>>
      tpu.enqueue_dma source(%arg14 : memref<200x128xf32, #tpu.memory_space<vmem>>) target(%dma_start3A_232 : memref<200x128xf32, #tpu.memory_space<hbm>>) target_semaphore(%arg18 : memref<!tpu.dma_semaphore, #tpu.memory_space<semaphore_mem>>)
    }
    %scan3A_7 = arith.constant 25 : i32
    %dma_wait3A = arith.constant 0 : i32
    %dma_wait3A_8 = tpu.memref_slice %arg6[%mul3A_2, %dma_wait3A] : memref<320000x272xf32, #tpu.memory_space<hbm>> -> memref<200x16xf32, #tpu.memory_space<hbm>>
    %dma_wait3A_9 = arith.constant 0 : i32
    %dma_wait3A_10 = tpu.memref_slice %arg6[%mul3A_2, %dma_wait3A_9] : memref<320000x272xf32, #tpu.memory_space<hbm>> -> memref<200x16xf32, #tpu.memory_space<hbm>>
    tpu.wait_dma2 semaphore(%arg17 : memref<!tpu.dma_semaphore, #tpu.memory_space<semaphore_mem>>) src(%arg9 : memref<200x16xf32, #tpu.memory_space<vmem>>) dst(%dma_wait3A_10 : memref<200x16xf32, #tpu.memory_space<hbm>>)
    %dma_wait3A_11 = arith.constant 16 : i32
    %dma_wait3A_12 = tpu.memref_slice %arg6[%mul3A_2, %dma_wait3A_11] : memref<320000x272xf32, #tpu.memory_space<hbm>> -> memref<200x128xf32, #tpu.memory_space<hbm>>
    %dma_wait3A_13 = arith.constant 16 : i32
    %dma_wait3A_14 = tpu.memref_slice %arg6[%mul3A_2, %dma_wait3A_13] : memref<320000x272xf32, #tpu.memory_space<hbm>> -> memref<200x128xf32, #tpu.memory_space<hbm>>
    tpu.wait_dma2 semaphore(%arg17 : memref<!tpu.dma_semaphore, #tpu.memory_space<semaphore_mem>>) src(%arg11 : memref<200x128xf32, #tpu.memory_space<vmem>>) dst(%dma_wait3A_14 : memref<200x128xf32, #tpu.memory_space<hbm>>)
    %dma_wait3A_15 = arith.constant 144 : i32
    %dma_wait3A_16 = tpu.memref_slice %arg6[%mul3A_2, %dma_wait3A_15] : memref<320000x272xf32, #tpu.memory_space<hbm>> -> memref<200x128xf32, #tpu.memory_space<hbm>>
    %dma_wait3A_17 = arith.constant 144 : i32
    %dma_wait3A_18 = tpu.memref_slice %arg6[%mul3A_2, %dma_wait3A_17] : memref<320000x272xf32, #tpu.memory_space<hbm>> -> memref<200x128xf32, #tpu.memory_space<hbm>>
    tpu.wait_dma2 semaphore(%arg17 : memref<!tpu.dma_semaphore, #tpu.memory_space<semaphore_mem>>) src(%arg13 : memref<200x128xf32, #tpu.memory_space<vmem>>) dst(%dma_wait3A_18 : memref<200x128xf32, #tpu.memory_space<hbm>>)
    %dma_wait3A_19 = arith.constant 0 : i32
    %dma_wait3A_20 = tpu.memref_slice %arg6[%mul3A_2, %dma_wait3A_19] : memref<320000x272xf32, #tpu.memory_space<hbm>> -> memref<200x16xf32, #tpu.memory_space<hbm>>
    %dma_wait3A_21 = arith.constant 0 : i32
    %dma_wait3A_22 = tpu.memref_slice %arg6[%mul3A_2, %dma_wait3A_21] : memref<320000x272xf32, #tpu.memory_space<hbm>> -> memref<200x16xf32, #tpu.memory_space<hbm>>
    tpu.wait_dma2 semaphore(%arg18 : memref<!tpu.dma_semaphore, #tpu.memory_space<semaphore_mem>>) src(%arg10 : memref<200x16xf32, #tpu.memory_space<vmem>>) dst(%dma_wait3A_22 : memref<200x16xf32, #tpu.memory_space<hbm>>)
    %dma_wait3A_23 = arith.constant 16 : i32
    %dma_wait3A_24 = tpu.memref_slice %arg6[%mul3A_2, %dma_wait3A_23] : memref<320000x272xf32, #tpu.memory_space<hbm>> -> memref<200x128xf32, #tpu.memory_space<hbm>>
    %dma_wait3A_25 = arith.constant 16 : i32
    %dma_wait3A_26 = tpu.memref_slice %arg6[%mul3A_2, %dma_wait3A_25] : memref<320000x272xf32, #tpu.memory_space<hbm>> -> memref<200x128xf32, #tpu.memory_space<hbm>>
    tpu.wait_dma2 semaphore(%arg18 : memref<!tpu.dma_semaphore, #tpu.memory_space<semaphore_mem>>) src(%arg12 : memref<200x128xf32, #tpu.memory_space<vmem>>) dst(%dma_wait3A_26 : memref<200x128xf32, #tpu.memory_space<hbm>>)
    %dma_wait3A_27 = arith.constant 144 : i32
    %dma_wait3A_28 = tpu.memref_slice %arg6[%mul3A_2, %dma_wait3A_27] : memref<320000x272xf32, #tpu.memory_space<hbm>> -> memref<200x128xf32, #tpu.memory_space<hbm>>
    %dma_wait3A_29 = arith.constant 144 : i32
    %dma_wait3A_30 = tpu.memref_slice %arg6[%mul3A_2, %dma_wait3A_29] : memref<320000x272xf32, #tpu.memory_space<hbm>> -> memref<200x128xf32, #tpu.memory_space<hbm>>
    tpu.wait_dma2 semaphore(%arg18 : memref<!tpu.dma_semaphore, #tpu.memory_space<semaphore_mem>>) src(%arg14 : memref<200x128xf32, #tpu.memory_space<vmem>>) dst(%dma_wait3A_30 : memref<200x128xf32, #tpu.memory_space<hbm>>)
    return
  }
}

</mosaic_0001>

<sc_bundles>
// kernel: kernel.3.cloned.1.call-start
scs
__scs_entry_jumppad:
0x0: {  	(pc) =	sbr.rel $0x88, $3  }
0x1: {  	(tag) =	ssettag $0x0;
	lr =	simm.s32 $0x1  }
0x2: {  	[smem:$0x3F9E] =	sst lr;
	_ =	strace $0xD0000000  }
0x3: {  	_ = 	snop  }
0x4: {  	_ = 	snop  }
0x5: {  	_ = 	snop  }
0x6: {  	_ = 	snop  }
0x7: {  	_ = 	snop  }
__scs_overlays_trampoline_lowered:
0x8: {  	[smem:$0x3FAD] =	sst s0  }
0x9: {  	[smem:$0x3FAE] =	sst s1  }
0xa: {  	[smem:$0x3FAF] =	sst s2  }
0xb: {  	[smem:$0x3FB0] =	sst s3  }
0xc: {  	[smem:$0x3FB1] =	sst s4  }
0xd: {  	[smem:$0x3FB2] =	sst s5  }
0xe: {  	[smem:$0x3FB3] =	sst s6  }
0xf: {  	[smem:$0x3FB4] =	sst s7  }
0x10: {  	[smem:$0x3FB5] =	sst s8  }
0x11: {  	[smem:$0x3FB6] =	sst s9;
	s0 =	simm.s32 @!p0 $0x0  }
0x12: {  	s1 =	sld [smem:$0x3F9C];
	s0 =	simm.s32 @p0 $0x1  }
0x13: {  	[smem:$0x3FB7] =	sst s0;
	s0 =	simm.s32 @!p1 $0x0  }
0x14: {  	s2 =	sld [smem:$0x3F9B];
	s0 =	simm.s32 @p1 $0x1  }
0x15: {  	[smem:$0x3FB8] =	sst s0;
	s0 =	simm.s32 @!p2 $0x0  }
0x16: {  	s3 =	sld [smem:$0x3FDB];
	s0 =	simm.s32 @p2 $0x1  }
0x17: {  	s4 =	simm.s32 $0x1BF5;
	[smem:$0x3FBA] =	sst s0  }
0x18: {  	s0 =	sld [smem:$0x3F9D];
	_ =	swait.ge [sflag:s4], $0x0  }
0x19: {  	s7 =	sld [smem:$0x3F9E]  }
0x1a: {  	s8 =	sadd.s32 $0xFFFFE003, lr  }
0x1b: {  	s9 =	sadd.s32 $0xFFFFFEF7, lr;
	s5 =	simm.s32 $0xFFFFFFFF;
	p2 =	slt.u32 s8, $0xFFFFF086  }
0x1c: {  	p1 =	slt.u32 s9, $0xF7A;
	s5 =	simm.s32 @!p2 $0x0  }
0x1d: {  	s5 =	simm.s32 @p1 $0x1;
	p0 =	seq.s32 s7, s2  }
0x1e: {  	s7 =	smul.u32 @!p0 $0xF7A, s2;
	p2 =	seq.s32 @!p0 s5, $0x0  }
0x1f: {  	s9 =	smul.u32 $0xF7A, s1;
	s8 =	simm.s32 @!p0 $0x1BF5;
	p2 =	por !p2, p0  }
0x20: {  	[sflag:s8] =	ssyncset.s32 @!p0 $0xFFFFF086;
	s6 =	sadd.s32 @!p0 s3, s7;
	s7 =	simm.s32 @!p0 $0x108  }
0x21: {  	s3 =	sadd.s32 s3, s9;
	s6 =	sadd.s32 @!p0 $0x88, s6;
	s7 =	simm.s32 @p2 $0x1082  }
0x22: {  	[simem:s7], [sflag:s8] =	dma.local @!p0 [hbm:s6], $0xF7A  }
0x23: {  	s9 =	sor.u32 $0xD0000000, s2;
	s6 =	simm.s32 $0x108;
	_ =	swait.ge @!p0 [sflag:s8], $0x0  }
0x24: {  	s3 =	sadd.s32 $0x88, s3;
	s6 =	simm.s32 @!p1 $0x1082;
	[sflag:s4] =	ssyncset.s32 $0xFFFFF086  }
0x25: {  	[simem:s6], [sflag:s4] =	dma.local [hbm:s3], $0xF7A  }
0x26: {  	[smem:$0x3F9E] =	sst s1;
	(tag) =	ssettag s2;
	_ =	strace s9  }
0x27: {  	s1 =	sld [smem:$0x3FAE]  }
0x28: {  	s2 =	sld [smem:$0x3FAF]  }
0x29: {  	s4 =	sld [smem:$0x3FB1]  }
0x2a: {  	p0 =	seq.s32 s5, $0x0;
	s5 =	sld [smem:$0x3FB2]  }
0x2b: {  	s6 =	sld [smem:$0x3FB3]  }
0x2c: {  	s7 =	sld [smem:$0x3FB4]  }
0x2d: {  	s3 =	simm.s32 $0x108;
	s8 =	sld [smem:$0x3FB5]  }
0x2e: {  	s3 =	simm.s32 @!p0 $0x1082;
	s9 =	sld [smem:$0x3FB6]  }
0x2f: {  	lr =	sadd.s32 s0, s3;
	s0 =	sld [smem:$0x3FAD]  }
0x30: {  	s3 =	sld [smem:$0x3FB0]  }
0x31: {  	[smem:$0x3FB9] =	sst s10  }
0x32: {  	s10 =	sld [smem:$0x3FB7];
	_ =	sdelay $0x3  }
0x33: {  	p0 =	seq.s32 s10, $0x1;
	s10 =	sld [smem:$0x3FB9];
	_ =	sdelay $0x3  }
0x34: {  	[smem:$0x3FB9] =	sst s10  }
0x35: {  	s10 =	sld [smem:$0x3FB8];
	_ =	sdelay $0x3  }
0x36: {  	p1 =	seq.s32 s10, $0x1;
	s10 =	sld [smem:$0x3FB9];
	_ =	sdelay $0x3  }
0x37: {  	[smem:$0x3FB9] =	sst s10  }
0x38: {  	s10 =	sld [smem:$0x3FBA]  }
0x39: {  	_ = 	snop;
	(pc) =	sbr.ind lr, $3  }
0x3a: {  	_ = 	snop  }
0x3b: {  	_ = 	snop  }
0x3c: {  	p2 =	seq.s32 s10, $0x1;
	s10 =	sld [smem:$0x3FB9]  }
0x3d: {  	_ =	shalt  }
0x3e: {  	_ =	shalt  }
0x3f: {  	_ =	shalt  }
0x40: {  	_ =	shalt  }
0x41: {  	_ =	shalt  }
0x42: {  	_ =	shalt  }
0x43: {  	_ =	shalt  }
0x44: {  	_ =	shalt  }
0x45: {  	_ =	shalt  }
0x46: {  	_ =	shalt  }
0x47: {  	_ =	shalt  }
0x48: {  	_ =	shalt  }
0x49: {  	_ =	shalt  }
0x4a: {  	_ =	shalt  }
0x4b: {  	_ =	shalt  }
0x4c: {  	_ =	shalt  }
0x4d: {  	_ =	shalt  }
0x4e: {  	_ =	shalt  }
0x4f: {  	_ =	shalt  }
0x50: {  	_ =	shalt  }
0x51: {  	_ =	shalt  }
0x52: {  	_ =	shalt  }
0x53: {  	_ =	shalt  }
0x54: {  	_ =	shalt  }
0x55: {  	_ =	shalt  }
0x56: {  	_ =	shalt  }
0x57: {  	_ =	shalt  }
0x58: {  	_ =	shalt  }
0x59: {  	_ =	shalt  }
0x5a: {  	_ =	shalt  }
0x5b: {  	_ =	shalt  }
0x5c: {  	_ =	shalt  }
0x5d: {  	_ =	shalt  }
0x5e: {  	_ =	shalt  }
0x5f: {  	_ =	shalt  }
0x60: {  	_ =	shalt  }
0x61: {  	_ =	shalt  }
0x62: {  	_ =	shalt  }
0x63: {  	_ =	shalt  }
0x64: {  	_ =	shalt  }
0x65: {  	_ =	shalt  }
0x66: {  	_ =	shalt  }
0x67: {  	_ =	shalt  }
0x68: {  	_ =	shalt  }
0x69: {  	_ =	shalt  }
0x6a: {  	_ =	shalt  }
0x6b: {  	_ =	shalt  }
0x6c: {  	_ =	shalt  }
0x6d: {  	_ =	shalt  }
0x6e: {  	_ =	shalt  }
0x6f: {  	_ =	shalt  }
0x70: {  	_ =	shalt  }
0x71: {  	_ =	shalt  }
0x72: {  	_ =	shalt  }
0x73: {  	_ =	shalt  }
0x74: {  	_ =	shalt  }
0x75: {  	_ =	shalt  }
0x76: {  	_ =	shalt  }
0x77: {  	_ =	shalt  }
0x78: {  	_ =	shalt  }
0x79: {  	_ =	shalt  }
0x7a: {  	_ =	shalt  }
0x7b: {  	_ =	shalt  }
0x7c: {  	_ =	shalt  }
0x7d: {  	_ =	shalt  }
0x7e: {  	_ =	shalt  }
0x7f: {  	_ =	shalt  }
0x80: {  	_ =	shalt  }
0x81: {  	_ =	shalt  }
0x82: {  	_ =	shalt  }
0x83: {  	_ =	shalt  }
0x84: {  	_ =	shalt  }
0x85: {  	_ =	shalt  }
0x86: {  	_ =	shalt  }
0x87: {  	_ =	shalt  }
.Lfunc_end0:
.L_simem_size_0:
called_computation.1_lowered:
.L_overlay_start_0:
0x88: {  	s2 =	sld [smem:$0x3FD9]  }
0x89: {  	s3 =	sld [smem:$0x3FFE];
	_ =	sdelay $0x1  }
0x8a: {  	s1 =	srdreg.scid  }
0x8b: {  	s0 =	sand.u32 $0x1, s1  }
0x8c: {  	s17 =	sshll.u32 s0, $0xA;
	s2 =	sadd.s32 s3, s2  }
0x8d: {  	s2 =	sadd.s32 s2, s17  }
0x8e: {  	[smem:$0x3FC5] =	sst s2  }
0x8f: {  	_ = 	snop  }
0x90: {  	s2 =	sld [smem:$0x3FC8]  }
0x91: {  	s18 =	sld [smem:$0x3FD0];
	(tm) =	ssettm $0x1  }
0x92: {  	s4 =	sld [smem:$0x3FFB];
	_ =	sdelay $0x3  }
0x93: {  	_ =	strace s4  }
0x94: {  	s4 =	sld [smem:$0x3FFC];
	_ =	sdelay $0x3  }
0x95: {  	_ =	strace s4  }
0x96: {  	s4 =	sld [smem:$0x3FFD];
	_ =	sdelay $0x3  }
0x97: {  	_ =	strace s4  }
0x98: {  	_ =	strace $0x8FFFFFFF  }
0x99: {  	s19 =	sld [smem:$0x3FDB];
	_ =	sdelay $0x1  }
0x9a: {  	s5 =	simm.s32 $_scs_section_size  }
0x9b: {  	s6 =	simm.s32 $_size__tile_overlayer_lowered;
	s7 =	simm.s32 $_tile_overlayer_lowered  }
0x9c: {  	s22 =	simm.s32 $0x1BFF;
	s21 =	sshll.u32 s7, $0x1;
	s4 =	sadd.s32 s5, s19  }
0x9d: {  	s8 =	simm.s32 $0x0;
	s20 =	sshll.u32 s6, $0x1;
	s6 =	sadd.s32 s21, s4  }
0x9e: {  	[timem:s8], [sflag:s22] =	dma.local [hbm:s6], s20  }
0x9f: {  	_ =	swait.ge [sflag:s22], s20  }
0xa0: {  	s5 =	ssub.s32 $0x0, s20;
	[sflag:s22] =	ssyncset.done $0x0  }
0xa1: {  	[sflag:s22] =	ssyncadd.s32 s5;
	_ =	sdelay $0x1  }
0xa2: {  	s23 =	simm.s32 $0x1B8B  }
0xa3: {  	_ =	swait.ge [sflag:s23], $0x1  }
0xa4: {  	[sflag:s23] =	ssyncset.done $0x0  }
0xa5: {  	s25 =	simm.s32 $0x1B8E;
	s24 =	sld [smem:$0x3FFE];
	[sflag:s23] =	ssyncadd.s32 $0xFFFFFFFF  }
0xa6: {  	s26 =	simm.s32 $execute0_lowered;
	[smem:$0x3FD2] =	sst s25  }
0xa7: {  	s6 =	sshll.u32 s26, $0x1;
	_ =	strace $0x80000046;
	[dreg:$0x1] =	wrdreg $0xFFFFFFFF  }
0xa8: {  	s28 =	simm.s32 $_size_execute0_lowered;
	s4 =	sadd.s32 s4, s6;
	[dreg:$0x0] =	wrdreg $0x0  }
0xa9: {  	s6 =	sshll.u32 s28, $0x1;
	[dreg:$0x2] =	wrdreg s4  }
0xaa: {  	[dreg:$0x3] =	wrdreg s6  }
0xab: {  	[dreg:$0x4] =	wrdreg $0xC0  }
0xac: {  	_ =	task [dreg:s8], $0x5FFFF  }
0xad: {  	[dreg:$0x1] =	wrdreg $0xFFFFFFFF  }
0xae: {  	[dreg:$0x0] =	wrdreg $0x60  }
0xaf: {  	[dreg:$0x2] =	wrdreg s24  }
0xb0: {  	[dreg:$0x3] =	wrdreg s2  }
0xb1: {  	[dreg:$0x4] =	wrdreg s18  }
0xb2: {  	[dreg:$0x5] =	wrdreg $0x9  }
0xb3: {  	_ =	task.clear_ibuf [dreg:s8], $0x6FFFF;
	_ =	strace $0x90000046  }
0xb4: {  	s29 =	simm.s32 $0x9;
	_ =	strace $0x80000048  }
0xb5: {  	_ =	swait.ge [sflag:s29], $0x1  }
0xb6: {  	[sflag:s29] =	ssyncadd.s32 $0xFFFFFFFF  }
0xb7: {  	_ =	strace $0x90000048  }
0xb8: {  	_ =	sfence  }
0xb9: {  	s30 =	sld [smem:$0x0];
	_ =	sdelay $0x2  }
0xba: {  	s31 =	sshll.u32 s1, $0xD;
	s1 =	sshrl.u32 s1, $0x2  }
0xbb: {  	s3 =	sand.u32 $0x4000, s31;
	s1 =	sadd.s32 s1, s30  }
0xbc: {  	s0 =	sor.u32 s3, s0;
	s1 =	sshll.u32 s1, $0x11  }
0xbd: {  	s0 =	sor.u32 s1, s0  }
0xbe: {  	s0 =	sadd.s32 $0x8F2B, s0  }
0xbf: {  	[sflag:s0] =	ssyncadd.remote.s32 $0x1  }
0xc0: {  	_ =	sfence.sel $0xFFFF  }
0xc1: {  	[dreg:$0x0] =	wrdreg $0xFFFFFFFF;
	(pc) =	sbr.abs _section_cstart, $3  }
0xc2: {  	[dreg:$0x1] =	wrdreg $0xFFFFFFFF  }
0xc3: {  	_ =	task.clear_ibuf [dreg:s8], $0x2FFFF;
	_ =	strace $0x9FFFFFFF  }
0xc4: {  	(tm) =	ssettm $0x7FFFFFFF  }
0xc5: {  	_ =	shalt  }
tec
execute0_lowered:
.L_overlay_start_1:
0x0: {  	(tag) =	ssettag $0x1  }
0x1: {  	s0 =	rddreg [dreg:$0x0];
	s1 =	srdreg.scid  }
0x2: {  	s3 =	stileid.u32;
	s2 =	rddreg [dreg:$0x1]  }
0x3: {  	s12 =	simm.s32 $0x60;
	s13 =	simm.s32 $0x6720;
	s26 =	simm.s32 $0x9720  }
0x4: {  	s14 =	simm.s32 $0x12F20;
	s29 =	simm.s32 $0x15F20;
	s6 =	smul.u32 $0x4E20, s3  }
0x5: {  	s15 =	simm.s32 $0x68;
	s30 =	simm.s32 $0xFB20;
	s10 =	smul.u32 $0x530200, s3  }
0x6: {  	s16 =	simm.s32 $0x4E20;
	s31 =	simm.s32 $0x1C320;
	s24 =	smul.u32 $0xA6040, s3  }
0x7: {  	s17 =	simm.s32 $0xCB20;
	s1 =	sand.u32 $0x1, s1;
	s11 =	smul.u32 $0x9C40, s3  }
0x8: {  	s18 =	simm.s32 $0x19320;
	s19 =	simm.s32 $0x5AA0;
	s8 =	smul.u32 $0x2710, s1  }
0x9: {  	s20 =	simm.s32 $0x1;
	s4 =	sshll.u32 s3, $0x1;
	s21 =	smul.u32 $0x298100, s1  }
0xa: {  	s28 =	simm.s32 $0x0;
	s5 =	sor.u32 s1, s4;
	s25 =	smul.u32 $0x53020, s1  }
0xb: {  	s4 =	simm.s32 $0x0;
	s7 =	ssub.s32 $0x2, s1;
	s1 =	smul.u32 $0x4E20, s1  }
0xc: {  	s5 =	smul.u32 $0x2710, s5;
	[smem:$0x7FF] =	sst s4;
	s9 =	sshrl.u32 s7, $0x1  }
0xd: {  	_ =	strace $0x80000047;
	s7 =	ssub.s32 s7, s9;
	[dreg:$0x6] =	wrdreg s26  }
0xe: {  	s6 =	sadd.s32 s8, s6;
	s23 =	sadd.s32 s21, s10;
	[dreg:$0x7] =	wrdreg s29  }
0xf: {  	s9 =	sadd.s32 s25, s24;
	s10 =	simm.s32 $0x5;
	[dreg:$0x8] =	wrdreg s30  }
0x10: {  	[dreg:$0x9] =	wrdreg s31;
	s21 =	simm.s32 $0x10;
	s24 =	simm.s32 $0x2  }
0x11: {  	s25 =	simm.s32 $0x3;
	s26 =	simm.s32 $0x4;
	s5 =	sshrl.u32 s5, $0x3  }
0x12: {  	s22 =	smax.u32 s7, $0x1;
	s6 =	sshll.u32 s6, $0x1;
	s8 =	sadd.s32 $0xD510, s23  }
0x13: {  	[dreg:$0x5] =	wrdreg s9;
	s23 =	simm.s32 $0x80;
	s5 =	sadd.s32 s0, s5  }
0x14: {  	s0 =	sadd.s32 $0x13C00, s0;
	[dreg:$0xc] =	wrdreg s22;
	s8 =	sshrl.u32 s8, $0x3  }
0x15: {  	s22 =	simm.s32 $0x110;
	[dreg:$0xa] =	wrdreg s5;
	s5 =	sadd.s32 $0x9E00, s5  }
0x16: {  	s6 =	sadd.s32 s0, s6;
	[dreg:$0x4] =	wrdreg s8;
	s0 =	sadd.s32 s11, s0  }
0x17: {  	[dreg:$0xb] =	wrdreg s5;
	s8 =	sadd.s32 $0x190, s6;
	s9 =	sadd.s32 s1, s0  }
.LBB2_1:
0x18: {  	s0 =	rddreg [dreg:$0xb]  }
0x19: {  	[tilespmem:s4], [sflag:$0x5] =	stream.linear.gather [hbm4b:s0+s4], $0x2710, $0x38;
	[tilespmem:$0x1F720] =	vst v63  }
0x1a: {  	_ =	swait.ge [sflag:s10], $0x2710  }
0x1b: {  	[sflag:s10] =	ssyncset.done $0x0  }
0x1c: {  	s1 =	simm.s32 $0x2710;
	s11 =	rddreg [dreg:$0xa];
	[sflag:s10] =	ssyncadd.s32 $0xFFFFD8F0  }
0x1d: {  	[tilespmem:s1], [sflag:$0x5] =	stream.linear.gather [hbm4b:s11+s4], $0x2710, $0x38;
	[tilespmem:$0x1F720] =	vst v63  }
0x1e: {  	_ =	swait.ge [sflag:s10], $0x2710  }
0x1f: {  	p0 =	por $0x1, $0x1;
	[sflag:s10] =	ssyncset.done $0x0  }
0x20: {  	s0 =	simm.s32 @!p0 $0x3;
	[sflag:s10] =	ssyncadd.s32 $0xFFFFD8F0  }
0x21: {  	_ =	swait.ge @!p0 [sflag:s0], $0xC80  }
0x22: {  	[sflag:s0] =	ssyncset.done @!p0 $0x0  }
0x23: {  	[sflag:s0] =	ssyncadd.s32 @!p0 $0xFFFFF380  }
0x24: {  	_ =	swait.ge @!p0 [sflag:s0], $0x6400  }
0x25: {  	[sflag:s0] =	ssyncset.done @!p0 $0x0  }
0x26: {  	[sflag:s0] =	ssyncadd.s32 @!p0 $0xFFFF9C00  }
0x27: {  	_ =	swait.ge @!p0 [sflag:s0], $0x6400  }
0x28: {  	[sflag:s0] =	ssyncset.done @!p0 $0x0  }
0x29: {  	[sflag:s0] =	ssyncadd.s32 @!p0 $0xFFFF9C00;
	s0 =	simm.s32 @!p0 $0x4  }
0x2a: {  	_ =	swait.ge @!p0 [sflag:s0], $0xC80  }
0x2b: {  	[sflag:s0] =	ssyncset.done @!p0 $0x0  }
0x2c: {  	[sflag:s0] =	ssyncadd.s32 @!p0 $0xFFFFF380  }
0x2d: {  	_ =	swait.ge @!p0 [sflag:s0], $0x6400  }
0x2e: {  	[sflag:s0] =	ssyncset.done @!p0 $0x0  }
0x2f: {  	[sflag:s0] =	ssyncadd.s32 @!p0 $0xFFFF9C00  }
0x30: {  	_ =	swait.ge @!p0 [sflag:s0], $0x6400  }
0x31: {  	[sflag:s0] =	ssyncset.done @!p0 $0x0  }
0x32: {  	s1 =	simm.s32 $0x2710;
	[sflag:s0] =	ssyncadd.s32 @!p0 $0xFFFF9C00  }
0x33: {  	[tilespmem:s13], [sflag:$0x1] =	stream.indirect.gather [hbm4b:s2+s12], $0x80, s1, s12, $0xb8;
	[tilespmem:$0x1F720] =	vst v63  }
0x34: {  	s3 =	simm.s32 $0x0  }
0x35: {  	[tilespmem:s14], [sflag:$0x1] =	stream.indirect.gather [hbm4b:s2+s12], $0x80, s3, s12, $0xb8;
	[tilespmem:$0x1F720] =	vst v63  }
0x36: {  	s7 =	simm.s32 $0x2770;
	s5 =	rddreg [dreg:$0x6]  }
0x37: {  	[tilespmem:s5], [sflag:$0x1] =	stream.indirect.gather [hbm4b:s2+s15], $0x80, s7, s15, $0xb8;
	[tilespmem:$0x1F720] =	vst v63  }
0x38: {  	s11 =	simm.s32 $0x60;
	s6 =	rddreg [dreg:$0x7]  }
0x39: {  	[tilespmem:s6], [sflag:$0x1] =	stream.indirect.gather [hbm4b:s2+s15], $0x80, s11, s15, $0xb8;
	[tilespmem:$0x1F720] =	vst v63  }
0x3a: {  	_ = 	snop  }
0x3b: {  	[tilespmem:s16], [sflag:$0x1] =	stream.linear.gather [hbm4b:s9+s4], $0xC80, $0x38;
	[tilespmem:$0x1F720] =	vst v63  }
0x3c: {  	s1 =	simm.s32 $0x27D8  }
0x3d: {  	[tilespmem:s17], [sflag:$0x2] =	stream.indirect.gather [hbm4b:s2+s12], $0x80, s1, s12, $0xb8;
	[tilespmem:$0x1F720] =	vst v63  }
0x3e: {  	s3 =	simm.s32 $0xC8  }
0x3f: {  	[tilespmem:s18], [sflag:$0x2] =	stream.indirect.gather [hbm4b:s2+s12], $0x80, s3, s12, $0xb8;
	[tilespmem:$0x1F720] =	vst v63  }
0x40: {  	s5 =	rddreg [dreg:$0x8];
	s6 =	simm.s32 $0x2838  }
0x41: {  	[tilespmem:s5], [sflag:$0x2] =	stream.indirect.gather [hbm4b:s2+s15], $0x80, s6, s15, $0xb8;
	[tilespmem:$0x1F720] =	vst v63  }
0x42: {  	s7 =	rddreg [dreg:$0x9];
	s11 =	simm.s32 $0x128  }
0x43: {  	[tilespmem:s7], [sflag:$0x2] =	stream.indirect.gather [hbm4b:s2+s15], $0x80, s11, s15, $0xb8;
	[tilespmem:$0x1F720] =	vst v63  }
0x44: {  	_ = 	snop  }
0x45: {  	[tilespmem:s19], [sflag:$0x2] =	stream.linear.gather [hbm4b:s8+s4], $0xC80, $0x38;
	[tilespmem:$0x1F720] =	vst v63  }
0x46: {  	_ =	swait.ge [sflag:s20], $0x3000  }
0x47: {  	[sflag:s20] =	ssyncset.done $0x0  }
0x48: {  	[sflag:s20] =	ssyncadd.s32 $0xFFFFD000  }
0x49: {  	_ =	swait.ge [sflag:s20], $0x3000  }
0x4a: {  	[sflag:s20] =	ssyncset.done $0x0  }
0x4b: {  	[sflag:s20] =	ssyncadd.s32 $0xFFFFD000  }
0x4c: {  	_ =	swait.ge [sflag:s20], $0x3400  }
0x4d: {  	[sflag:s20] =	ssyncset.done $0x0  }
0x4e: {  	[sflag:s20] =	ssyncadd.s32 $0xFFFFCC00  }
0x4f: {  	_ =	swait.ge [sflag:s20], $0x3400  }
0x50: {  	[sflag:s20] =	ssyncset.done $0x0  }
0x51: {  	[sflag:s20] =	ssyncadd.s32 $0xFFFFCC00  }
0x52: {  	_ =	swait.ge [sflag:s20], $0xC80  }
0x53: {  	[sflag:s20] =	ssyncset.done $0x0  }
0x54: {  	s1 =	rddreg [dreg:$0x5];
	[sflag:s20] =	ssyncadd.s32 $0xFFFFF380  }
0x55: {  	s3 =	rddreg [dreg:$0x2]  }
0x56: {  	s0 =	sadd.s32 s3, s1  }
0x57: {  	[hbm4b:s0+s21] =	stream.strided.scatter [tilespmem:s16], [sflag:$0x3], $0xC80, s22, s21, $0x38;
	[tilespmem:$0x1F720] =	vst v63  }
0x58: {  	s5 =	sadd.s32 $0x2, s0  }
0x59: {  	[hbm4b:s5+s23] =	stream.strided.scatter [tilespmem:s13], [sflag:$0x3], $0x6400, s22, s23, $0x38;
	[tilespmem:$0x1F720] =	vst v63  }
0x5a: {  	s6 =	sadd.s32 $0x12, s0  }
0x5b: {  	[hbm4b:s6+s23] =	stream.strided.scatter [tilespmem:s14], [sflag:$0x3], $0x6400, s22, s23, $0x38;
	[tilespmem:$0x1F720] =	vst v63  }
0x5c: {  	_ =	swait.ge [sflag:s24], $0x3000  }
0x5d: {  	[sflag:s24] =	ssyncset.done $0x0  }
0x5e: {  	[sflag:s24] =	ssyncadd.s32 $0xFFFFD000  }
0x5f: {  	_ =	swait.ge [sflag:s24], $0x3000  }
0x60: {  	[sflag:s24] =	ssyncset.done $0x0  }
0x61: {  	[sflag:s24] =	ssyncadd.s32 $0xFFFFD000  }
0x62: {  	_ =	swait.ge [sflag:s24], $0x3400  }
0x63: {  	[sflag:s24] =	ssyncset.done $0x0  }
0x64: {  	[sflag:s24] =	ssyncadd.s32 $0xFFFFCC00  }
0x65: {  	_ =	swait.ge [sflag:s24], $0x3400  }
0x66: {  	[sflag:s24] =	ssyncset.done $0x0  }
0x67: {  	[sflag:s24] =	ssyncadd.s32 $0xFFFFCC00  }
0x68: {  	_ =	swait.ge [sflag:s24], $0xC80  }
0x69: {  	s31 =	sadd.s32 $0x320, s9;
	p1 =	por $0x0, $0x0;
	[sflag:s24] =	ssyncset.done $0x0  }
0x6a: {  	s30 =	smov.u32 s8;
	s7 =	sadd.s32 $0x1A90, s0;
	[sflag:s24] =	ssyncadd.s32 $0xFFFFF380  }
0x6b: {  	[hbm4b:s7+s21] =	stream.strided.scatter [tilespmem:s19], [sflag:$0x4], $0xC80, s22, s21, $0x38;
	[tilespmem:$0x1F720] =	vst v63  }
0x6c: {  	s1 =	simm.s32 $0x640;
	s0 =	sadd.s32 $0x1A92, s0;
	s11 =	rddreg [dreg:$0x4]  }
0x6d: {  	[hbm4b:s0+s23] =	stream.strided.scatter [tilespmem:s17], [sflag:$0x4], $0x6400, s22, s23, $0x38;
	[tilespmem:$0x1F720] =	vst v63  }
0x6e: {  	s29 =	sadd.s32 $0x3520, s3;
	s6 =	sadd.s32 s3, s11;
	s0 =	simm.s32 $0xC80  }
.LBB2_2:
0x6f: {  	s7 =	simm.s32 @!p1 $0x3  }
0x70: {  	[hbm4b:s6+s23] =	stream.strided.scatter [tilespmem:s18], [sflag:$0x4], $0x6400, s22, s23, $0x38;
	[tilespmem:$0x1F720] =	vst v63  }
0x71: {  	_ =	swait.ge @!p1 [sflag:s7], $0xC80  }
0x72: {  	[sflag:s7] =	ssyncset.done @!p1 $0x0  }
0x73: {  	[sflag:s7] =	ssyncadd.s32 @!p1 $0xFFFFF380  }
0x74: {  	_ =	swait.ge @!p1 [sflag:s7], $0x6400  }
0x75: {  	[sflag:s7] =	ssyncset.done @!p1 $0x0  }
0x76: {  	[sflag:s7] =	ssyncadd.s32 @!p1 $0xFFFF9C00  }
0x77: {  	_ =	swait.ge @!p1 [sflag:s7], $0x6400  }
0x78: {  	[sflag:s7] =	ssyncset.done @!p1 $0x0  }
0x79: {  	s6 =	simm.s32 @!p1 $0x4;
	[sflag:s7] =	ssyncadd.s32 @!p1 $0xFFFF9C00  }
0x7a: {  	_ =	swait.ge @!p1 [sflag:s6], $0xC80  }
0x7b: {  	[sflag:s6] =	ssyncset.done @!p1 $0x0  }
0x7c: {  	[sflag:s6] =	ssyncadd.s32 @!p1 $0xFFFFF380  }
0x7d: {  	_ =	swait.ge @!p1 [sflag:s6], $0x6400  }
0x7e: {  	[sflag:s6] =	ssyncset.done @!p1 $0x0  }
0x7f: {  	[sflag:s6] =	ssyncadd.s32 @!p1 $0xFFFF9C00  }
0x80: {  	_ =	swait.ge @!p1 [sflag:s6], $0x6400  }
0x81: {  	s7 =	sshra.s32 s1, $0x2;
	[sflag:s6] =	ssyncset.done @!p1 $0x0  }
0x82: {  	s3 =	sadd.s32 $0x2710, s7;
	[sflag:s6] =	ssyncadd.s32 @!p1 $0xFFFF9C00  }
0x83: {  	[tilespmem:s13], [sflag:$0x1] =	stream.indirect.gather [hbm4b:s2+s12], $0x80, s3, s12, $0xb8;
	[tilespmem:$0x1F720] =	vst v63  }
0x84: {  	s5 =	smov.u32 s0  }
0x85: {  	[tilespmem:s14], [sflag:$0x1] =	stream.indirect.gather [hbm4b:s2+s12], $0x80, s7, s12, $0xb8;
	[tilespmem:$0x1F720] =	vst v63  }
0x86: {  	s1 =	smov.u32 s5;
	s5 =	rddreg [dreg:$0x6];
	s6 =	sadd.s32 $0x2770, s7  }
0x87: {  	[tilespmem:s5], [sflag:$0x1] =	stream.indirect.gather [hbm4b:s2+s15], $0x80, s6, s15, $0xb8;
	[tilespmem:$0x1F720] =	vst v63  }
0x88: {  	s3 =	rddreg [dreg:$0x7];
	s6 =	sadd.s32 $0x60, s7  }
0x89: {  	[tilespmem:s3], [sflag:$0x1] =	stream.indirect.gather [hbm4b:s2+s15], $0x80, s6, s15, $0xb8;
	[tilespmem:$0x1F720] =	vst v63  }
0x8a: {  	_ = 	snop  }
0x8b: {  	[tilespmem:s16], [sflag:$0x1] =	stream.linear.gather [hbm4b:s31+s4], $0xC80, $0x38;
	[tilespmem:$0x1F720] =	vst v63  }
0x8c: {  	s5 =	sadd.s32 $0x27D8, s7  }
0x8d: {  	[tilespmem:s17], [sflag:$0x2] =	stream.indirect.gather [hbm4b:s2+s12], $0x80, s5, s12, $0xb8;
	[tilespmem:$0x1F720] =	vst v63  }
0x8e: {  	s6 =	sadd.s32 $0xC8, s7  }
0x8f: {  	[tilespmem:s18], [sflag:$0x2] =	stream.indirect.gather [hbm4b:s2+s12], $0x80, s6, s12, $0xb8;
	[tilespmem:$0x1F720] =	vst v63  }
0x90: {  	s3 =	sadd.s32 $0x2838, s7;
	s5 =	rddreg [dreg:$0x8]  }
0x91: {  	[tilespmem:s5], [sflag:$0x2] =	stream.indirect.gather [hbm4b:s2+s15], $0x80, s3, s15, $0xb8;
	[tilespmem:$0x1F720] =	vst v63  }
0x92: {  	s6 =	rddreg [dreg:$0x9];
	s5 =	sadd.s32 $0x128, s7  }
0x93: {  	[tilespmem:s6], [sflag:$0x2] =	stream.indirect.gather [hbm4b:s2+s15], $0x80, s5, s15, $0xb8;
	[tilespmem:$0x1F720] =	vst v63  }
0x94: {  	s30 =	sadd.s32 $0x320, s30  }
0x95: {  	[tilespmem:s19], [sflag:$0x2] =	stream.linear.gather [hbm4b:s30+s4], $0xC80, $0x38;
	[tilespmem:$0x1F720] =	vst v63  }
0x96: {  	_ =	swait.ge [sflag:s20], $0x3000  }
0x97: {  	[sflag:s20] =	ssyncset.done $0x0  }
0x98: {  	[sflag:s20] =	ssyncadd.s32 $0xFFFFD000  }
0x99: {  	_ =	swait.ge [sflag:s20], $0x3000  }
0x9a: {  	[sflag:s20] =	ssyncset.done $0x0  }
0x9b: {  	[sflag:s20] =	ssyncadd.s32 $0xFFFFD000  }
0x9c: {  	_ =	swait.ge [sflag:s20], $0x3400  }
0x9d: {  	[sflag:s20] =	ssyncset.done $0x0  }
0x9e: {  	[sflag:s20] =	ssyncadd.s32 $0xFFFFCC00  }
0x9f: {  	_ =	swait.ge [sflag:s20], $0x3400  }
0xa0: {  	[sflag:s20] =	ssyncset.done $0x0  }
0xa1: {  	[sflag:s20] =	ssyncadd.s32 $0xFFFFCC00  }
0xa2: {  	_ =	swait.ge [sflag:s20], $0xC80  }
0xa3: {  	s6 =	rddreg [dreg:$0x5];
	[sflag:s20] =	ssyncset.done $0x0  }
0xa4: {  	[sflag:s20] =	ssyncadd.s32 $0xFFFFF380;
	s3 =	sadd.s32 s29, s6  }
0xa5: {  	[hbm4b:s3+s21] =	stream.strided.scatter [tilespmem:s16], [sflag:$0x3], $0xC80, s22, s21, $0x38;
	[tilespmem:$0x1F720] =	vst v63  }
0xa6: {  	s7 =	sadd.s32 $0x2, s3  }
0xa7: {  	[hbm4b:s7+s23] =	stream.strided.scatter [tilespmem:s13], [sflag:$0x3], $0x6400, s22, s23, $0x38;
	[tilespmem:$0x1F720] =	vst v63  }
0xa8: {  	s6 =	sadd.s32 $0x12, s3  }
0xa9: {  	[hbm4b:s6+s23] =	stream.strided.scatter [tilespmem:s14], [sflag:$0x3], $0x6400, s22, s23, $0x38;
	[tilespmem:$0x1F720] =	vst v63  }
0xaa: {  	_ =	swait.ge [sflag:s24], $0x3000  }
0xab: {  	[sflag:s24] =	ssyncset.done $0x0  }
0xac: {  	[sflag:s24] =	ssyncadd.s32 $0xFFFFD000  }
0xad: {  	_ =	swait.ge [sflag:s24], $0x3000  }
0xae: {  	[sflag:s24] =	ssyncset.done $0x0  }
0xaf: {  	[sflag:s24] =	ssyncadd.s32 $0xFFFFD000  }
0xb0: {  	_ =	swait.ge [sflag:s24], $0x3400  }
0xb1: {  	[sflag:s24] =	ssyncset.done $0x0  }
0xb2: {  	[sflag:s24] =	ssyncadd.s32 $0xFFFFCC00  }
0xb3: {  	_ =	swait.ge [sflag:s24], $0x3400  }
0xb4: {  	[sflag:s24] =	ssyncset.done $0x0  }
0xb5: {  	s0 =	sadd.s32 $0x640, s0;
	s11 =	smov.u32 s29;
	[sflag:s24] =	ssyncadd.s32 $0xFFFFCC00  }
0xb6: {  	p0 =	sne.s32 s0, $0x9C40;
	p1 =	seq.s32 s1, $0x0;
	_ =	swait.ge [sflag:s24], $0xC80  }
.Ltmp0:
0xb7: {  	s31 =	sadd.s32 $0x320, s31;
	[sflag:s24] =	ssyncset.done $0x0;
	(pc) =	sbr.rel @p0 .LBB2_2-.Ltmp0, $4  }
0xb8: {  	s7 =	sadd.s32 $0x1A90, s3;
	s5 =	rddreg [dreg:$0x4];
	[sflag:s24] =	ssyncadd.s32 $0xFFFFF380  }
0xb9: {  	[hbm4b:s7+s21] =	stream.strided.scatter [tilespmem:s19], [sflag:$0x4], $0xC80, s22, s21, $0x38;
	[tilespmem:$0x1F720] =	vst v63  }
0xba: {  	s29 =	sadd.s32 $0x3520, s29;
	s3 =	sadd.s32 $0x1A92, s3;
	s6 =	sadd.s32 s11, s5  }
0xbb: {  	[hbm4b:s3+s23] =	stream.strided.scatter [tilespmem:s17], [sflag:$0x4], $0x6400, s22, s23, $0x38;
	[tilespmem:$0x1F720] =	vst v63  }
0xbc: {  	s0 =	simm.s32 @!p1 $0x3  }
0xbd: {  	[hbm4b:s6+s23] =	stream.strided.scatter [tilespmem:s18], [sflag:$0x4], $0x6400, s22, s23, $0x38;
	[tilespmem:$0x1F720] =	vst v63  }
0xbe: {  	_ =	swait.ge @!p1 [sflag:s0], $0xC80  }
0xbf: {  	[sflag:s0] =	ssyncset.done @!p1 $0x0  }
0xc0: {  	[sflag:s0] =	ssyncadd.s32 @!p1 $0xFFFFF380  }
0xc1: {  	_ =	swait.ge @!p1 [sflag:s0], $0x6400  }
0xc2: {  	[sflag:s0] =	ssyncset.done @!p1 $0x0  }
0xc3: {  	[sflag:s0] =	ssyncadd.s32 @!p1 $0xFFFF9C00  }
0xc4: {  	_ =	swait.ge @!p1 [sflag:s0], $0x6400  }
0xc5: {  	[sflag:s0] =	ssyncset.done @!p1 $0x0  }
0xc6: {  	[sflag:s0] =	ssyncadd.s32 @!p1 $0xFFFF9C00;
	s0 =	simm.s32 @!p1 $0x4  }
0xc7: {  	_ =	swait.ge @!p1 [sflag:s0], $0xC80  }
0xc8: {  	[sflag:s0] =	ssyncset.done @!p1 $0x0  }
0xc9: {  	[sflag:s0] =	ssyncadd.s32 @!p1 $0xFFFFF380  }
0xca: {  	_ =	swait.ge @!p1 [sflag:s0], $0x6400  }
0xcb: {  	[sflag:s0] =	ssyncset.done @!p1 $0x0  }
0xcc: {  	[sflag:s0] =	ssyncadd.s32 @!p1 $0xFFFF9C00  }
0xcd: {  	_ =	swait.ge @!p1 [sflag:s0], $0x6400  }
0xce: {  	s1 =	sshra.s32 s1, $0x2;
	[sflag:s0] =	ssyncset.done @!p1 $0x0  }
0xcf: {  	s6 =	sadd.s32 $0x2710, s1;
	[sflag:s0] =	ssyncadd.s32 @!p1 $0xFFFF9C00  }
0xd0: {  	[tilespmem:s13], [sflag:$0x1] =	stream.indirect.gather [hbm4b:s2+s12], $0x80, s6, s12, $0xb8;
	[tilespmem:$0x1F720] =	vst v63  }
0xd1: {  	_ = 	snop  }
0xd2: {  	[tilespmem:s14], [sflag:$0x1] =	stream.indirect.gather [hbm4b:s2+s12], $0x80, s1, s12, $0xb8;
	[tilespmem:$0x1F720] =	vst v63  }
0xd3: {  	s3 =	sadd.s32 $0x2770, s1;
	s7 =	rddreg [dreg:$0x6]  }
0xd4: {  	[tilespmem:s7], [sflag:$0x1] =	stream.indirect.gather [hbm4b:s2+s15], $0x80, s3, s15, $0xb8;
	[tilespmem:$0x1F720] =	vst v63  }
0xd5: {  	s11 =	sadd.s32 $0x60, s1;
	s5 =	rddreg [dreg:$0x7]  }
0xd6: {  	[tilespmem:s5], [sflag:$0x1] =	stream.indirect.gather [hbm4b:s2+s15], $0x80, s11, s15, $0xb8;
	[tilespmem:$0x1F720] =	vst v63  }
0xd7: {  	_ = 	snop  }
0xd8: {  	[tilespmem:s16], [sflag:$0x1] =	stream.linear.gather [hbm4b:s31+s4], $0xC80, $0x38;
	[tilespmem:$0x1F720] =	vst v63  }
0xd9: {  	s3 =	sadd.s32 $0x27D8, s1  }
0xda: {  	[tilespmem:s17], [sflag:$0x2] =	stream.indirect.gather [hbm4b:s2+s12], $0x80, s3, s12, $0xb8;
	[tilespmem:$0x1F720] =	vst v63  }
0xdb: {  	s5 =	sadd.s32 $0xC8, s1  }
0xdc: {  	[tilespmem:s18], [sflag:$0x2] =	stream.indirect.gather [hbm4b:s2+s12], $0x80, s5, s12, $0xb8;
	[tilespmem:$0x1F720] =	vst v63  }
0xdd: {  	s6 =	rddreg [dreg:$0x8];
	s7 =	sadd.s32 $0x2838, s1  }
0xde: {  	[tilespmem:s6], [sflag:$0x2] =	stream.indirect.gather [hbm4b:s2+s15], $0x80, s7, s15, $0xb8;
	[tilespmem:$0x1F720] =	vst v63  }
0xdf: {  	s11 =	rddreg [dreg:$0x9];
	s31 =	sadd.s32 $0x128, s1  }
0xe0: {  	[tilespmem:s11], [sflag:$0x2] =	stream.indirect.gather [hbm4b:s2+s15], $0x80, s31, s15, $0xb8;
	[tilespmem:$0x1F720] =	vst v63  }
0xe1: {  	s1 =	sadd.s32 $0x320, s30  }
0xe2: {  	[tilespmem:s19], [sflag:$0x2] =	stream.linear.gather [hbm4b:s1+s4], $0xC80, $0x38;
	[tilespmem:$0x1F720] =	vst v63  }
0xe3: {  	_ =	swait.ge [sflag:s20], $0x3000  }
0xe4: {  	[sflag:s20] =	ssyncset.done $0x0  }
0xe5: {  	[sflag:s20] =	ssyncadd.s32 $0xFFFFD000  }
0xe6: {  	_ =	swait.ge [sflag:s20], $0x3000  }
0xe7: {  	[sflag:s20] =	ssyncset.done $0x0  }
0xe8: {  	[sflag:s20] =	ssyncadd.s32 $0xFFFFD000  }
0xe9: {  	_ =	swait.ge [sflag:s20], $0x3400  }
0xea: {  	[sflag:s20] =	ssyncset.done $0x0  }
0xeb: {  	[sflag:s20] =	ssyncadd.s32 $0xFFFFCC00  }
0xec: {  	_ =	swait.ge [sflag:s20], $0x3400  }
0xed: {  	[sflag:s20] =	ssyncset.done $0x0  }
0xee: {  	[sflag:s20] =	ssyncadd.s32 $0xFFFFCC00  }
0xef: {  	_ =	swait.ge [sflag:s20], $0xC80  }
0xf0: {  	s3 =	rddreg [dreg:$0x5];
	[sflag:s20] =	ssyncset.done $0x0  }
0xf1: {  	[sflag:s20] =	ssyncadd.s32 $0xFFFFF380;
	s0 =	sadd.s32 s29, s3  }
0xf2: {  	[hbm4b:s0+s21] =	stream.strided.scatter [tilespmem:s16], [sflag:$0x3], $0xC80, s22, s21, $0x38;
	[tilespmem:$0x1F720] =	vst v63  }
0xf3: {  	s5 =	sadd.s32 $0x2, s0  }
0xf4: {  	[hbm4b:s5+s23] =	stream.strided.scatter [tilespmem:s13], [sflag:$0x3], $0x6400, s22, s23, $0x38;
	[tilespmem:$0x1F720] =	vst v63  }
0xf5: {  	s6 =	sadd.s32 $0x12, s0  }
0xf6: {  	[hbm4b:s6+s23] =	stream.strided.scatter [tilespmem:s14], [sflag:$0x3], $0x6400, s22, s23, $0x38;
	[tilespmem:$0x1F720] =	vst v63  }
0xf7: {  	_ =	swait.ge [sflag:s24], $0x3000  }
0xf8: {  	[sflag:s24] =	ssyncset.done $0x0  }
0xf9: {  	[sflag:s24] =	ssyncadd.s32 $0xFFFFD000  }
0xfa: {  	_ =	swait.ge [sflag:s24], $0x3000  }
0xfb: {  	[sflag:s24] =	ssyncset.done $0x0  }
0xfc: {  	[sflag:s24] =	ssyncadd.s32 $0xFFFFD000  }
0xfd: {  	_ =	swait.ge [sflag:s24], $0x3400  }
0xfe: {  	[sflag:s24] =	ssyncset.done $0x0  }
0xff: {  	[sflag:s24] =	ssyncadd.s32 $0xFFFFCC00  }
0x100: {  	_ =	swait.ge [sflag:s24], $0x3400  }
0x101: {  	[sflag:s24] =	ssyncset.done $0x0  }
0x102: {  	[sflag:s24] =	ssyncadd.s32 $0xFFFFCC00  }
0x103: {  	_ =	swait.ge [sflag:s24], $0xC80  }
0x104: {  	[sflag:s24] =	ssyncset.done $0x0  }
0x105: {  	s11 =	sadd.s32 $0x1A90, s0;
	[sflag:s24] =	ssyncadd.s32 $0xFFFFF380  }
0x106: {  	[hbm4b:s11+s21] =	stream.strided.scatter [tilespmem:s19], [sflag:$0x4], $0xC80, s22, s21, $0x38;
	[tilespmem:$0x1F720] =	vst v63  }
0x107: {  	s0 =	sadd.s32 $0x1A92, s0;
	s7 =	rddreg [dreg:$0x4]  }
0x108: {  	[hbm4b:s0+s23] =	stream.strided.scatter [tilespmem:s17], [sflag:$0x4], $0x6400, s22, s23, $0x38;
	[tilespmem:$0x1F720] =	vst v63  }
0x109: {  	s30 =	sadd.s32 s29, s7  }
0x10a: {  	[hbm4b:s30+s23] =	stream.strided.scatter [tilespmem:s18], [sflag:$0x4], $0x6400, s22, s23, $0x38;
	[tilespmem:$0x1F720] =	vst v63  }
0x10b: {  	_ =	swait.ge [sflag:s25], $0xC80  }
0x10c: {  	[sflag:s25] =	ssyncset.done $0x0  }
0x10d: {  	[sflag:s25] =	ssyncadd.s32 $0xFFFFF380  }
0x10e: {  	_ =	swait.ge [sflag:s25], $0x6400  }
0x10f: {  	[sflag:s25] =	ssyncset.done $0x0  }
0x110: {  	[sflag:s25] =	ssyncadd.s32 $0xFFFF9C00  }
0x111: {  	_ =	swait.ge [sflag:s25], $0x6400  }
0x112: {  	[sflag:s25] =	ssyncset.done $0x0  }
0x113: {  	[sflag:s25] =	ssyncadd.s32 $0xFFFF9C00  }
0x114: {  	_ =	swait.ge [sflag:s26], $0xC80  }
0x115: {  	[sflag:s26] =	ssyncset.done $0x0  }
0x116: {  	[sflag:s26] =	ssyncadd.s32 $0xFFFFF380  }
0x117: {  	_ =	swait.ge [sflag:s26], $0x6400  }
0x118: {  	[sflag:s26] =	ssyncset.done $0x0  }
0x119: {  	[sflag:s26] =	ssyncadd.s32 $0xFFFF9C00  }
0x11a: {  	_ =	swait.ge [sflag:s26], $0x6400  }
0x11b: {  	s28 =	sadd.s32 $0x1, s28;
	s31 =	rddreg [dreg:$0xc]  }
0x11c: {  	p0 =	sne.s32 s28, s31  }
.Ltmp1:
0x11d: {  	_ = 	snop;
	(pc) =	sbr.rel @p0 .LBB2_1-.Ltmp1, $3  }
0x11e: {  	_ =	sdelay $0x1  }
0x11f: {  	[sflag:s26] =	ssyncset.done $0x0  }
0x120: {  	[sflag:s26] =	ssyncadd.s32 $0xFFFF9C00  }
0x121: {  	_ =	sfence.sel $0x180000  }
0x122: {  	[bflag:$0x0] =	sbarrier.arrive $0xFFFF  }
0x123: {  	_ =	strace $0x90000047  }
0x124: {  	s0 =	stileid.u32;
	[bflag:$0x2] =	sbarrier.arrive $0xFFFF  }
0x125: {  	p0 =	sne.s32 s0, $0x0;
	s0 =	rddreg [dreg:$0x3]  }
0x126: {  	s0 =	sadd.s32 @!p0 $0x100000, s0  }
0x127: {  	[sflag:s0] =	ssyncadd.tile.s32 @!p0 $0x1;
	_ =	shalt  }
.Lfunc_end2:
_tile_overlayer_lowered:
.L_overlay_start_2:
0x128: {  	(tag) =	ssettag $0x2  }
0x129: {  	s0 =	rddreg [dreg:$0x0];
	s2 =	stileid.u32  }
0x12a: {  	s1 =	rddreg [dreg:$0x1];
	p0 =	sne.s32 s2, $0x0  }
0x12b: {  	s3 =	rddreg [dreg:$0x2];
	[bflag:$0x3] =	sbarrier.arrive $0xFFFF;
	s2 =	simm.s32 @!p0 $0x1C05  }
0x12c: {  	[timem:s3], [sflag:s2] =	dma.local @!p0 [hbm:s0], s1  }
0x12d: {  	s0 =	simm.s32 @!p0 $0x5  }
0x12e: {  	_ =	swait.ge @!p0 [sflag:s0], s1  }
0x12f: {  	s1 =	ssub.s32 @!p0 $0x0, s1;
	[sflag:s0] =	ssyncset.done @!p0 $0x0  }
0x130: {  	[sflag:s0] =	ssyncadd.s32 @!p0 s1  }
0x131: {  	[bflag:$0x3] =	sbarrier.arrive $0xFFFF  }
0x132: {  	_ =	shalt  }

// kernel: sparse-core-data-format-call.cloned.1.call-start
scs
called_computation_lowered:
.L_overlay_start_0:
0x0: {  	s2 =	sld [smem:$0x3FD9]  }
0x1: {  	s3 =	sld [smem:$0x3FFE];
	_ =	sdelay $0x1  }
0x2: {  	s1 =	srdreg.scid  }
0x3: {  	s0 =	sand.u32 $0x1, s1  }
0x4: {  	s18 =	sshll.u32 s0, $0xA;
	s2 =	sadd.s32 s3, s2  }
0x5: {  	s2 =	sadd.s32 s2, s18  }
0x6: {  	[smem:$0x3FC5] =	sst s2  }
0x7: {  	_ = 	snop  }
0x8: {  	s2 =	sld [smem:$0x3FD0];
	(tm) =	ssettm $0x1  }
0x9: {  	s19 =	sld [smem:$0x3FFB];
	_ =	sdelay $0x3  }
0xa: {  	_ =	strace s19  }
0xb: {  	s3 =	sld [smem:$0x3FFC];
	_ =	sdelay $0x3  }
0xc: {  	_ =	strace s3  }
0xd: {  	s3 =	sld [smem:$0x3FFD];
	_ =	sdelay $0x3  }
0xe: {  	_ =	strace s3  }
0xf: {  	_ =	strace $0x8FFFFFFF  }
0x10: {  	s20 =	sld [smem:$0x3FDB];
	_ =	sdelay $0x1  }
0x11: {  	s4 =	simm.s32 $_scs_section_size  }
0x12: {  	s5 =	simm.s32 $_size__tile_overlayer_lowered;
	s6 =	simm.s32 $_tile_overlayer_lowered  }
0x13: {  	s23 =	simm.s32 $0x1BFF;
	s22 =	sshll.u32 s6, $0x1;
	s3 =	sadd.s32 s4, s20  }
0x14: {  	s7 =	simm.s32 $0x0;
	s21 =	sshll.u32 s5, $0x1;
	s5 =	sadd.s32 s22, s3  }
0x15: {  	[timem:s7], [sflag:s23] =	dma.local [hbm:s5], s21  }
0x16: {  	_ =	swait.ge [sflag:s23], s21  }
0x17: {  	s4 =	ssub.s32 $0x0, s21;
	[sflag:s23] =	ssyncset.done $0x0  }
0x18: {  	[sflag:s23] =	ssyncadd.s32 s4;
	_ =	sdelay $0x1  }
0x19: {  	s24 =	simm.s32 $0x1B8B  }
0x1a: {  	_ =	swait.ge [sflag:s24], $0x1  }
0x1b: {  	[sflag:s24] =	ssyncset.done $0x0  }
0x1c: {  	s26 =	simm.s32 $0x1B8E;
	s25 =	sld [smem:$0x3FFE];
	[sflag:s24] =	ssyncadd.s32 $0xFFFFFFFF  }
0x1d: {  	s27 =	simm.s32 $execute0_lowered;
	[smem:$0x3FD2] =	sst s26  }
0x1e: {  	s5 =	sshll.u32 s27, $0x1;
	_ =	strace $0x80000049;
	[dreg:$0x1] =	wrdreg $0xFFFFFFFF  }
0x1f: {  	s28 =	simm.s32 $_size_execute0_lowered;
	s3 =	sadd.s32 s3, s5;
	[dreg:$0x0] =	wrdreg $0x0  }
0x20: {  	s5 =	sshll.u32 s28, $0x1;
	[dreg:$0x2] =	wrdreg s3  }
0x21: {  	[dreg:$0x3] =	wrdreg s5  }
0x22: {  	[dreg:$0x4] =	wrdreg $0xC0  }
0x23: {  	_ =	task [dreg:s7], $0x5FFFF  }
0x24: {  	[dreg:$0x1] =	wrdreg $0xFFFFFFFF  }
0x25: {  	[dreg:$0x0] =	wrdreg $0x60  }
0x26: {  	[dreg:$0x2] =	wrdreg s25  }
0x27: {  	[dreg:$0x3] =	wrdreg s2  }
0x28: {  	[dreg:$0x4] =	wrdreg $0x9  }
0x29: {  	_ =	task.clear_ibuf [dreg:s7], $0x5FFFF;
	_ =	strace $0x90000049  }
0x2a: {  	s29 =	simm.s32 $0x9;
	_ =	strace $0x8000004B  }
0x2b: {  	_ =	swait.ge [sflag:s29], $0x1  }
0x2c: {  	[sflag:s29] =	ssyncadd.s32 $0xFFFFFFFF  }
0x2d: {  	_ =	strace $0x9000004B  }
0x2e: {  	_ =	sfence  }
0x2f: {  	s30 =	sld [smem:$0x0];
	_ =	sdelay $0x2  }
0x30: {  	s31 =	sshll.u32 s1, $0xD;
	s1 =	sshrl.u32 s1, $0x2  }
0x31: {  	s3 =	sand.u32 $0x4000, s31;
	s1 =	sadd.s32 s1, s30  }
0x32: {  	s0 =	sor.u32 s3, s0;
	s1 =	sshll.u32 s1, $0x11  }
0x33: {  	s0 =	sor.u32 s1, s0  }
0x34: {  	s0 =	sadd.s32 $0x8F2B, s0  }
0x35: {  	[sflag:s0] =	ssyncadd.remote.s32 $0x1  }
0x36: {  	_ =	sfence.sel $0xFFFF  }
0x37: {  	[dreg:$0x0] =	wrdreg $0xFFFFFFFF;
	(pc) =	sbr.abs _section_cstart, $3  }
0x38: {  	[dreg:$0x1] =	wrdreg $0xFFFFFFFF  }
0x39: {  	_ =	task.clear_ibuf [dreg:s7], $0x2FFFF;
	_ =	strace $0x9FFFFFFF  }
0x3a: {  	(tm) =	ssettm $0x7FFFFFFF  }
0x3b: {  	_ =	shalt  }
tec
execute0_lowered:
.L_overlay_start_1:
0x0: {  	(tag) =	ssettag $0x1  }
0x1: {  	s0 =	srdreg.scid  }
0x2: {  	s1 =	sshll.u32 s0, $0x4  }
0x3: {  	s0 =	stileid.u32;
	s1 =	sand.u32 $0x10, s1  }
0x4: {  	s3 =	rddreg [dreg:$0x0];
	s1 =	sor.u32 s0, s1  }
0x5: {  	s4 =	rddreg [dreg:$0x1];
	s6 =	simm.s32 $0x1;
	s2 =	sshll.u32 s1, $0x7  }
0x6: {  	s31 =	simm.s32 $0x2;
	s15 =	simm.s32 $0x0;
	s5 =	ssub.s32 $0x4E200, s2  }
0x7: {  	s8 =	simm.s32 $0x271000;
	s14 =	simm.s32 $0x0;
	s30 =	sand.u32 $0xF80, s5  }
0x8: {  	s9 =	simm.s32 $0x0;
	s10 =	simm.s32 $0x0;
	p0 =	sne.s32 s30, $0x0  }
.Ltmp0:
0x9: {  	s7 =	sshrl.u32 s5, $0xC;
	s6 =	simm.s32 @!p0 $0x0;
	(pc) =	sbr.rel .LBB1_1-.Ltmp0, $4  }
0xa: {  	s11 =	simm.s32 $0x0;
	s1 =	rddreg [dreg:$0x2];
	s6 =	sadd.s32 s6, s7  }
0xb: {  	_ =	strace $0x8000004A;
	s5 =	simm.s32 $0x1;
	s6 =	smul.u32 $0x3, s6  }
0xc: {  	s13 =	simm.s32 $0x0;
	s12 =	smov.u32 s2;
	[sflag:s5] =	ssyncpa.u1 $0x0  }
0xd: {  	[sflag:s31] =	ssyncpa.u1 $0x0;
	p0 =	por $0x0, $0x0;
	s7 =	sadd.s32 $0x1, s6  }
.LBB1_4:
0xe: {  	s21 =	sshrl.u32 s9, $0x3;
	s22 =	sshll.u32 s10, $0x3  }
0xf: {  	s23 =	sshll.u32 s9, $0x7;
	s20 =	sshra.s32 s20, $0x2;
	s21 =	smul.u32 $0x271000, s21  }
0x10: {  	s28 =	sand.u32 $0x7F, s10;
	p1 =	sgt.s32 s9, $0x90;
	s22 =	sand.u32 $0xFFFFFC00, s22  }
0x11: {  	s29 =	sshra.s32 s9, $0x1F;
	s27 =	sand.u32 $0x380, s23;
	s21 =	sadd.s32 s22, s21  }
0x12: {  	s24 =	sshra.s32 s10, $0x1F;
	s19 =	sadd.s32 s20, s19;
	s21 =	sor.u32 s27, s21  }
0x13: {  	v5 =	vld [tilespmem:s17+$0xFFFFFFD0];
	s22 =	smulhi.u32 $0xD1B71759, s21;
	s20 =	sor.u32 s28, s21;
	s21 =	smov.u32 s9  }
0x14: {  	[tilespmem:s18+$0x2040 ss:$0x81] =	vst.msk $0xffff, v4;
	v58 =	vld [tilespmem:s17+$0xFFFFFFE0];
	s23 =	sand.u32 s29, s9;
	s24 =	sand.u32 s24, s10;
	s21 =	simm.s32 @!p1 $0x90  }
0x15: {  	[tilespmem:s18+$0x2850 ss:$0x81] =	vst.msk $0xffff, v3;
	p1 =	sgt.s32 s10, $0x4E180;
	s30 =	smulhi.u32 $0xD1B71759, s20;
	s22 =	sshrl.u32 s22, $0x12  }
0x16: {  	v59 =	vld [tilespmem:s17+$0xFFFFFFF0];
	[tilespmem:s18+$0x3060 ss:$0x81] =	vst.msk $0xffff, v2;
	s21 =	ssub.s32 s21, s23;
	s23 =	smov.u32 s10;
	s25 =	smul.u32 $0x3C3D, s22  }
0x17: {  	v60 =	vld [tilespmem:s17+$0x0];
	[tilespmem:s18+$0x0 ss:$0x81] =	vst.msk $0xffff, v0;
	s23 =	simm.s32 @!p1 $0x4E180;
	s31 =	sadd.s32 $0xFFFFFF70, s21;
	s18 =	sshrl.u32 s30, $0x12  }
0x18: {  	v61 =	vld [tilespmem:s17+$0x10];
	[tilespmem:s19+$0x3870 ss:$0x81] =	vst.msk $0xffff, v1;
	s23 =	ssub.s32 s23, s24;
	s28 =	smul.u32 $0x4E200, s18;
	s25 =	sshrl.u32 s25, $0x16  }
0x19: {  	v62 =	vld [tilespmem:s17+$0x20];
	[tilespmem:s19+$0x810 ss:$0x81] =	vst.msk $0xffff, v5;
	p1 =	sgt.s32 s31, $0x7F;
	s26 =	sadd.s32 $0xFFFB1E80, s23;
	s27 =	smul.u32 $0x110, s25  }
0x1a: {  	v63 =	vld [tilespmem:s17+$0xFFFFFFC0];
	[tilespmem:s19+$0x1020 ss:$0x81] =	vst.msk $0xffff, v58;
	s18 =	ssub.s32 $0x110, s21;
	s21 =	ssub.s32 $0x4E200, s23;
	p2 =	sgt.s32 s26, $0x7F  }
0x1b: {  	[tilespmem:s19+$0x1830 ss:$0x81] =	vst.msk $0xffff, v59;
	s18 =	simm.s32 @p1 $0x0;
	s21 =	simm.s32 @p2 $0x0;
	s22 =	ssub.s32 s22, s27  }
0x1c: {  	[tilespmem:s19+$0x2040 ss:$0x81] =	vst.msk $0xffff, v60;
	s17 =	ssub.s32 s20, s28;
	s18 =	smul.u32 s21, s18;
	s29 =	sand.u32 $0xFFFF, s22  }
0x1d: {  	[tilespmem:s19+$0x2850 ss:$0x81] =	vst.msk $0xffff, v61;
	s30 =	sshrl.u32 s17, $0x3;
	s17 =	sand.u32 $0x7, s17;
	s20 =	smul.u32 $0x9C40, s29  }
0x1e: {  	[tilespmem:s19+$0x3060 ss:$0x81] =	vst.msk $0xffff, v62;
	s21 =	sadd.s32 s4, s30;
	s17 =	sshll.u32 s17, $0x12  }
0x1f: {  	[tilespmem:s19+$0x0 ss:$0x81] =	vst.msk $0xffff, v63;
	s17 =	sor.u32 $0x400, s17;
	s18 =	sand.u32 $0x3FFFFFFF, s18;
	s31 =	sadd.s32 s20, s21  }
0x20: {  	[hbm4b:s31+s17] =	stream.strided.scatter [tilespmem:s16], [sflag:$0x2], s18, s8, s17, $0x20;
	[tilespmem:$0x10100] =	vst v63  }
.LBB1_5:
0x21: {  	p1 =	slt.u32 s13, $0x2  }
0x22: {  	s17 =	smov.u32 s15;
	p2 =	sgt.s32 @!p1 s15, $0x90;
	s16 =	sshra.s32 @!p1 s15, $0x1F  }
0x23: {  	p3 =	sgt.s32 @!p1 s14, $0x4E180;
	s18 =	sshra.s32 @!p1 s14, $0x1F;
	p2 =	por !p2, p1  }
0x24: {  	s15 =	sand.u32 @!p1 s16, s15;
	p3 =	por !p3, p1;
	s16 =	smov.u32 s14  }
0x25: {  	s14 =	sand.u32 @!p1 s18, s14;
	s17 =	simm.s32 @p2 $0x90;
	s16 =	simm.s32 @p3 $0x4E180  }
0x26: {  	s15 =	ssub.s32 @!p1 s17, s15;
	s14 =	ssub.s32 @!p1 s16, s14  }
0x27: {  	s18 =	smov.u32 s12;
	s16 =	sadd.s32 @!p1 $0xFFFFFF70, s15;
	s17 =	sadd.s32 @!p1 $0xFFFB1E80, s14  }
0x28: {  	s15 =	ssub.s32 @!p1 $0x110, s15;
	p2 =	sgt.s32 @!p1 s16, $0x7F;
	p3 =	sgt.s32 @!p1 s17, $0x7F  }
0x29: {  	s14 =	ssub.s32 @!p1 $0x4E200, s14;
	p2 =	por !p2, p1;
	p3 =	por !p3, p1  }
0x2a: {  	s16 =	sadd.s32 $0x80, s11;
	s15 =	simm.s32 @!p2 $0x0;
	s14 =	simm.s32 @!p3 $0x0  }
0x2b: {  	p2 =	sgt.s32 s16, $0x10F;
	s14 =	smul.u32 @!p1 s14, s15;
	s15 =	sadd.s32 $0x1000, s12  }
0x2c: {  	s18 =	smov.u32 @p2 s15  }
0x2d: {  	s16 =	simm.s32 @p2 $0x0;
	p2 =	sgt.s32 s18, $0x4E1FF  }
0x2e: {  	s18 =	smov.u32 @p2 s2;
	p2 =	sne.s32 s13, s7  }
.Ltmp1:
0x2f: {  	p0 =	por !p0, !p0;
	s17 =	simm.s32 @!p1 $0x2;
	(pc) =	sbr.rel @!p2 .LBB1_6-.Ltmp1, $4  }
0x30: {  	s15 =	smov.u32 s9;
	s9 =	smov.u32 s11;
	s14 =	sand.u32 @!p1 $0x3FFFFFFF, s14  }
0x31: {  	s11 =	smov.u32 s16;
	_ =	swait.ge @!p1 [sflag:s17], s14;
	s19 =	ssub.s32 @!p1 $0x0, s14  }
0x32: {  	s14 =	smov.u32 s10;
	s13 =	sadd.s32 $0x1, s13;
	[sflag:s17] =	ssyncset.done @!p1 $0x0  }
0x33: {  	s10 =	smov.u32 s12;
	s12 =	smov.u32 s18;
	[sflag:s17] =	ssyncadd.s32 @!p1 s19  }
.LBB1_1:
0x34: {  	p1 =	sge.u32 s13, s6  }
0x35: {  	s16 =	sshrl.u32 @!p1 s12, $0x3  }
0x36: {  	s17 =	sshll.u32 @!p1 s11, $0x3;
	s16 =	smul.u32 @!p1 $0xC00, s16  }
0x37: {  	s18 =	sshll.u32 @!p1 s12, $0x7;
	s17 =	sand.u32 @!p1 $0xFFFFFC00, s17  }
0x38: {  	s16 =	sadd.s32 @!p1 s16, s17;
	s17 =	sand.u32 @!p1 $0x380, s18  }
0x39: {  	s16 =	sor.u32 @!p1 s17, s16  }
0x3a: {  	s17 =	sand.u32 @!p1 $0x7F, s11;
	s18 =	smulhi.u32 @!p1 $0xAAAAAAAB, s16  }
0x3b: {  	s16 =	sor.u32 @!p1 s17, s16  }
0x3c: {  	s17 =	smulhi.u32 @!p1 $0xAAAAAAAB, s16;
	s18 =	sshrl.u32 @!p1 s18, $0x8  }
0x3d: {  	s19 =	smulhi.u32 @!p1 $0x1A36E3, s18  }
0x3e: {  	s17 =	sshrl.u32 @!p1 s17, $0x8  }
0x3f: {  	s17 =	smul.u32 @!p1 $0x180, s17;
	s19 =	sshrl.u32 @!p1 s19, $0x7  }
0x40: {  	s19 =	smul.u32 @!p1 $0x4E200, s19  }
0x41: {  	s31 =	sadd.s32 $0xFFFFFFFF, s13;
	s20 =	sxor.u32 @!p1 $0xFFFFFFFF, s13  }
0x42: {  	s16 =	ssub.s32 @!p1 s16, s17;
	s17 =	sshll.u32 @!p1 s20, $0xE;
	s18 =	ssub.s32 @!p1 s18, s19  }
0x43: {  	s19 =	sshrl.u32 @!p1 s16, $0x3;
	s16 =	sand.u32 @!p1 $0x7, s16;
	s18 =	smul.u32 @!p1 $0x30, s18  }
0x44: {  	s17 =	sand.u32 @!p1 $0x4000, s17;
	s19 =	sadd.s32 @!p1 s3, s19;
	s16 =	sshll.u32 @!p1 s16, $0x12  }
0x45: {  	s16 =	sor.u32 @!p1 $0x400, s16;
	s18 =	sadd.s32 @!p1 s18, s19;
	s19 =	simm.s32 @!p1 $0xC00  }
0x46: {  	[tilespmem:s17], [sflag:$0x1] =	stream.strided.gather @!p1 [hbm4b:s18+s16], $0x4000, s19, s16, $0x38;
	[tilespmem:$0x10100] =	vst v63  }
0x47: {  	p1 =	sge.u32 s31, s6  }
.Ltmp2:
0x48: {  	_ = 	snop;
	(pc) =	sbr.rel @p1 .LBB1_5-.Ltmp2, $1  }
0x49: {  	_ =	sdelay $0x3  }
0x4a: {  	s16 =	simm.s32 $0x1  }
0x4b: {  	_ =	swait.ge [sflag:s5], $0x4000;
	s16 =	simm.s32 @!p0 $0x0  }
0x4c: {  	[sflag:s5] =	ssyncset.done $0x0;
	s17 =	sshll.u32 s16, $0xE  }
0x4d: {  	[sflag:s5] =	ssyncadd.s32 $0xFFFFC000;
	s17 =	sor.u32 $0x40, s17  }
0x4e: {  	s16 =	smul.u32 $0x10200, s16;
	v0 =	vld [tilespmem:s17+$0x30]  }
0x4f: {  	v1 =	vld [tilespmem:s17+$0xFFFFFFD0]  }
0x50: {  	s16 =	sshrl.u32 s16, $0x2;
	v5 =	vld [tilespmem:s17+$0xFFFFFFE0]  }
0x51: {  	v6 =	vld [tilespmem:s17+$0xFFFFFFF0];
	s19 =	sor.u32 $0x8000, s16  }
0x52: {  	s31 =	sand.u32 $0x1, s13;
	v4 =	vld [tilespmem:s17+$0x0];
	s18 =	sadd.s32 $0x0, s19  }
0x53: {  	v3 =	vld [tilespmem:s17+$0x10];
	s16 =	smul.u32 $0x10200, s31;
	[tilespmem:s18+$0x3870 ss:$0x81] =	vst.msk $0xffff, v0  }
0x54: {  	v2 =	vld [tilespmem:s17+$0x20];
	[tilespmem:s18+$0x810 ss:$0x81] =	vst.msk $0xffff, v1  }
0x55: {  	s16 =	sshrl.u32 s16, $0x2;
	v0 =	vld [tilespmem:s17+$0xFFFFFFC0];
	[tilespmem:s18+$0x1020 ss:$0x81] =	vst.msk $0xffff, v5;
	s17 =	sadd.s32 $0x80, s17  }
0x56: {  	s20 =	simm.s32 $0x4;
	s21 =	simm.s32 $0x8;
	s16 =	sor.u32 $0x8000, s16;
	[tilespmem:s18+$0x1830 ss:$0x81] =	vst.msk $0xffff, v6;
	v1 =	vld [tilespmem:s17+$0x30]  }
.LBB1_3:
0x57: {  	p1 =	sne.s32 s21, $0x1FC;
	v5 =	vld [tilespmem:s17+$0xFFFFFFD0];
	[tilespmem:s18+$0x2040 ss:$0x81] =	vst.msk $0xffff, v4  }
0x58: {  	v6 =	vld [tilespmem:s17+$0xFFFFFFE0];
	[tilespmem:s18+$0x2850 ss:$0x81] =	vst.msk $0xffff, v3  }
0x59: {  	s22 =	sshra.s32 s20, $0x2;
	s20 =	smov.u32 s21;
	v7 =	vld [tilespmem:s17+$0xFFFFFFF0];
	[tilespmem:s18+$0x3060 ss:$0x81] =	vst.msk $0xffff, v2  }
.Ltmp3:
0x5a: {  	v4 =	vld [tilespmem:s17+$0x0];
	[tilespmem:s18+$0x0 ss:$0x81] =	vst.msk $0xffff, v0;
	s18 =	sadd.s32 s22, s19;
	(pc) =	sbr.rel @p1 .LBB1_3-.Ltmp3, $4  }
0x5b: {  	v3 =	vld [tilespmem:s17+$0x10];
	[tilespmem:s18+$0x3870 ss:$0x81] =	vst.msk $0xffff, v1  }
0x5c: {  	[tilespmem:s18+$0x810 ss:$0x81] =	vst.msk $0xffff, v5;
	v2 =	vld [tilespmem:s17+$0x20]  }
0x5d: {  	v0 =	vld [tilespmem:s17+$0xFFFFFFC0];
	[tilespmem:s18+$0x1020 ss:$0x81] =	vst.msk $0xffff, v6;
	s17 =	sadd.s32 $0x80, s17  }
0x5e: {  	s21 =	sadd.s32 $0x4, s21;
	v1 =	vld [tilespmem:s17+$0x30];
	[tilespmem:s18+$0x1830 ss:$0x81] =	vst.msk $0xffff, v7  }
.Ltmp4:
0x5f: {  	_ = 	snop;
	(pc) =	sbr.rel .LBB1_4-.Ltmp4, $1  }
0x60: {  	_ =	sdelay $0x3  }
.LBB1_6:
0x61: {  	_ =	sfence.sel $0x180000  }
0x62: {  	s2 =	simm.s32 $0x1;
	[bflag:$0x0] =	sbarrier.arrive $0xFFFF  }
0x63: {  	s31 =	simm.s32 $0x2;
	[sflag:s2] =	ssyncpa.u1 $0x1  }
0x64: {  	[sflag:s31] =	ssyncpa.u1 $0x1  }
0x65: {  	p0 =	sne.s32 s0, $0x0;
	_ =	strace $0x9000004A  }
0x66: {  	s0 =	sadd.s32 @!p0 $0x100000, s1;
	[bflag:$0x2] =	sbarrier.arrive $0xFFFF  }
0x67: {  	[sflag:s0] =	ssyncadd.tile.s32 @!p0 $0x1;
	_ =	shalt  }
.Lfunc_end1:
_tile_overlayer_lowered:
.L_overlay_start_2:
0x68: {  	(tag) =	ssettag $0x2  }
0x69: {  	s0 =	rddreg [dreg:$0x0];
	s2 =	stileid.u32  }
0x6a: {  	s1 =	rddreg [dreg:$0x1];
	p0 =	sne.s32 s2, $0x0  }
0x6b: {  	s3 =	rddreg [dreg:$0x2];
	[bflag:$0x3] =	sbarrier.arrive $0xFFFF;
	s2 =	simm.s32 @!p0 $0x1C01  }
0x6c: {  	[timem:s3], [sflag:s2] =	dma.local @!p0 [hbm:s0], s1  }
0x6d: {  	s0 =	simm.s32 @!p0 $0x1  }
0x6e: {  	_ =	swait.ge @!p0 [sflag:s0], s1  }
0x6f: {  	s1 =	ssub.s32 @!p0 $0x0, s1;
	[sflag:s0] =	ssyncset.done @!p0 $0x0  }
0x70: {  	[sflag:s0] =	ssyncadd.s32 @!p0 s1  }
0x71: {  	[bflag:$0x3] =	sbarrier.arrive $0xFFFF  }
0x72: {  	_ =	shalt  }

</sc_bundles>
